<compile_context>
chip_gen: v7x
topology: tpu7x:2x2x1
jax: 0.10.2.dev20260603
libtpu: 0.0.44.dev20260713+nightly
codegen_flags: <defaults>
</compile_context>

<pallas_src>
import functools

import jax
import jax.numpy as jnp
from jax import lax
from jax.experimental import pallas as pl
from jax.experimental.pallas import tpu as pltpu
from jax.experimental.pallas import tpu_sc as plsc

B, S, D = 8, 1024, 64
K = 8192
TOPK = 5
KPAD = 8
KC = 10
KCPAD = 16
MAX_ITERS = 10
NEG = float("-inf")


BK = 256
NB = K // BK


def _stage1_body(x_ref, mem_ref, idx_ref, sim_ref):
    x = x_ref[0]

    def mm_body(j, carry):
        m = mem_ref[pl.ds(j * BK, BK), :]
        sim_ref[:, pl.ds(j * BK, BK)] = lax.dot_general(
            x, m, (((1,), (1,)), ((), ())),
            preferred_element_type=jnp.float32)
        return carry
    lax.fori_loop(0, NB, mm_body, 0)

    biota = lax.broadcasted_iota(jnp.int32, (S, BK), 1)
    vals = []
    idxs = []
    vk = None
    ik = None
    for k in range(TOPK):
        def pass_body(j, carry, vk=vk, ik=ik):
            v, i = carry
            blk = sim_ref[:, pl.ds(j * BK, BK)]
            gidx = biota + j * BK
            if k == 0:
                cand = blk
            else:
                keep = (blk < vk) | ((blk == vk) & (gidx > ik))
                cand = jnp.where(keep, blk, NEG)
            bv = jnp.max(cand, axis=1, keepdims=True)
            bi = jnp.min(jnp.where(cand == bv, gidx, K), axis=1,
                         keepdims=True)
            better = bv > v
            return jnp.where(better, bv, v), jnp.where(better, bi, i)
        v0 = jnp.full((S, 1), NEG, jnp.float32)
        i0 = jnp.full((S, 1), K, jnp.int32)
        v, i = lax.fori_loop(0, NB, pass_body, (v0, i0))
        vals.append(v)
        idxs.append(i)
        vk, ik = v, i

    del vals
    for k in range(TOPK):
        idx_ref[0, :, k:k + 1] = idxs[k]
    for k in range(TOPK, KPAD):
        idx_ref[0, :, k:k + 1] = jnp.zeros((S, 1), jnp.int32)


def _stage1(x, memory):
    return pl.pallas_call(
        _stage1_body,
        grid=(B,),
        in_specs=[
            pl.BlockSpec((1, S, D), lambda b: (b, 0, 0)),
            pl.BlockSpec((K, D), lambda b: (0, 0)),
        ],
        out_specs=pl.BlockSpec((1, S, KPAD), lambda b: (b, 0, 0)),
        out_shape=jax.ShapeDtypeStruct((B, S, KPAD), jnp.int32),
        scratch_shapes=[pltpu.VMEM((S, K), jnp.float32)],
        compiler_params=pltpu.CompilerParams(
            vmem_limit_bytes=100 * 1024 * 1024),
    )(x, memory)


_NW = 32
_TOTAL = B * S * KPAD
_PER_W = _TOTAL // _NW
_CHUNK = 1024


def _sc_gather_body(table_hbm, idx_hbm, out_hbm, idx_v, rows_v, sem):
    wid = lax.axis_index("s") * 2 + lax.axis_index("c")
    for c in range(_PER_W // _CHUNK):
        base = wid * _PER_W + c * _CHUNK
        pltpu.sync_copy(idx_hbm.at[pl.ds(base, _CHUNK)], idx_v)
        pltpu.async_copy(table_hbm.at[idx_v], rows_v, sem).wait()
        pltpu.sync_copy(rows_v, out_hbm.at[pl.ds(base, _CHUNK)])


def _stage2(memory, idx_flat):
    mesh = plsc.VectorSubcoreMesh(core_axis_name="c", subcore_axis_name="s")
    k = functools.partial(
        pl.kernel,
        mesh=mesh,
        out_type=jax.ShapeDtypeStruct((_TOTAL, D), jnp.float32),
        scratch_types=[
            pltpu.VMEM((_CHUNK,), jnp.int32),
            pltpu.VMEM((_CHUNK, D), jnp.float32),
            pltpu.SemaphoreType.DMA,
        ],
        compiler_params=pltpu.CompilerParams(use_tc_tiling_on_sc=False),
    )(_sc_gather_body)
    return k(memory, idx_flat)


def _stage3_body(x_ref, ctx_ref, init_ref, out_ref, xe_ref):
    x = x_ref[0]
    ctxs = [ctx_ref[0][:, k, :] for k in range(TOPK)]
    logits = [jnp.sum(x * c, axis=1, keepdims=True) for c in ctxs]
    mx = logits[0]
    for t in logits[1:]:
        mx = jnp.maximum(mx, t)
    es = [jnp.exp(t - mx) for t in logits]
    denom = es[0]
    for e in es[1:]:
        denom = denom + e
    acc = (es[0] / denom) * ctxs[0]
    for k in range(1, TOPK):
        acc = acc + (es[k] / denom) * ctxs[k]
    xe = x + acc
    xe_ref[...] = xe

    cent_rows = []
    for j in range(KC):
        cent_rows.append(xe_ref[pl.ds(init_ref[0, 0, j], 1), :])
    for j in range(KC, KCPAD):
        cent_rows.append(jnp.zeros((1, D), jnp.float32))
    cent = jnp.concatenate(cent_rows, axis=0)

    xn = jnp.sum(xe * xe, axis=1, keepdims=True)
    lane16 = lax.broadcasted_iota(jnp.int32, (S, KCPAD), 1)
    valid = lane16 < KC
    assign_oh = None
    xe_b = xe.astype(jnp.bfloat16)
    for _ in range(MAX_ITERS):
        dots = lax.dot_general(xe_b, cent.astype(jnp.bfloat16),
                               (((1,), (1,)), ((), ())),
                               preferred_element_type=jnp.float32)
        cn = jnp.sum(cent * cent, axis=1)
        dist = (xn - 2.0 * dots) + cn[None, :]
        dist = jnp.where(valid, dist, float("inf"))
        m = jnp.min(dist, axis=1, keepdims=True)
        a = jnp.min(jnp.where(dist == m, lane16, KCPAD), axis=1, keepdims=True)
        assign_oh = (lane16 == a).astype(jnp.float32)
        sums = lax.dot_general(assign_oh, xe, (((0,), (0,)), ((), ())),
                               preferred_element_type=jnp.float32,
                               precision=lax.Precision.HIGHEST)
        counts = jnp.sum(assign_oh, axis=0)
        cent = sums / (counts[:, None] + 1e-08)

    out_ref[0] = lax.dot_general(assign_oh, cent, (((1,), (0,)), ((), ())),
                                 preferred_element_type=jnp.float32,
                                 precision=lax.Precision.HIGHEST)


def _stage3(x, ctx, init_idx):
    return pl.pallas_call(
        _stage3_body,
        grid=(B,),
        in_specs=[
            pl.BlockSpec((1, S, D), lambda b: (b, 0, 0)),
            pl.BlockSpec((1, S, KPAD, D), lambda b: (b, 0, 0, 0)),
            pl.BlockSpec((1, 1, KC), lambda b: (b, 0, 0), memory_space=pltpu.SMEM),
        ],
        out_specs=pl.BlockSpec((1, S, D), lambda b: (b, 0, 0)),
        out_shape=jax.ShapeDtypeStruct((B, S, D), jnp.float32),
        scratch_shapes=[pltpu.VMEM((S, D), jnp.float32)],
    )(x, ctx, init_idx)


def kernel(x, memory):
    idx = _stage1(x, memory)
    ctx = _stage2(memory, idx.reshape(_TOTAL))
    ctx = ctx.reshape(B, S, KPAD, D)
    init_idx = jax.random.randint(jax.random.key(42), (B, KC), 0, S).astype(jnp.int32)
    init_idx = init_idx.reshape(B, 1, KC)
    return _stage3(x, ctx, init_idx)

# --- scband reference (transcript-rebuilt; emitter-appended) ---
"""Pipeline reference for scband-memory-enhanced-kmeans-49460843380951 (READ-ONLY COPY).

The authoritative reference and input builder live on the scoring server;
editing this copy changes nothing except your own understanding.
"""

import jax, jax.numpy as jnp
import numpy as np


def setup_inputs(seed: int = 0) -> dict:
    key = jax.random.key(seed)
    k1, k2 = jax.random.split(key)
    x = jax.random.normal(k1, (8, 1024, 64), dtype=jnp.float32)
    memory = jax.random.normal(k2, (8192, 64), dtype=jnp.float32)
    return {"x": x, "memory": memory}


def reference(x, memory):
    B, S, D = x.shape
    kc = 10
    max_iters = 10
    topk = 5
    # MemoryBank.query
    sim = jnp.matmul(x, memory.T)  # [B, S, K]
    _, topk_idx = jax.lax.top_k(sim, topk)  # [B, S, topk]
    memory_ctx = memory[topk_idx]  # [B, S, topk, D]
    # attention enhancement
    attn = jnp.einsum('bsd,bskd->bsk', x, memory_ctx)
    attn = jax.nn.softmax(attn, axis=-1)
    x_e = x + jnp.einsum('bsk,bskd->bsd', attn, memory_ctx)
    # inplace_cluster (k-means)
    init_idx = jax.random.randint(jax.random.key(42), (B, kc), 0, S)
    b_idx = jnp.arange(B)[:, None]
    centroids = x_e[b_idx, init_idx]  # [B, kc, D]
    x_norm_sq = jnp.sum(x_e ** 2, axis=-1, keepdims=True)  # [B, S, 1]
    assignments = jnp.zeros((B, S), dtype=jnp.int32)
    for _ in range(max_iters):
        dots = jnp.matmul(x_e, centroids.transpose(0, 2, 1))  # [B, S, kc]
        c_norm_sq = jnp.sum(centroids ** 2, axis=-1)  # [B, kc]
        distances = x_norm_sq - 2.0 * dots + c_norm_sq[:, None, :]
        assignments = jnp.argmin(distances, axis=-1)  # [B, S]
        sums = jnp.zeros((B, kc, D), dtype=x_e.dtype).at[b_idx, assignments].add(x_e)
        counts = jnp.zeros((B, kc, 1), dtype=x_e.dtype).at[b_idx, assignments].add(1.0)
        centroids = sums / (counts + 1e-08)
    gather_idx = jnp.broadcast_to(assignments[:, :, None], (B, S, D))
    quantized = jnp.take_along_axis(centroids, gather_idx, axis=1)
    return quantized

if __name__ == "__main__":
    import jax
    _d = setup_inputs()
    print(jax.jit(kernel)(*tuple(_d.values())))

</pallas_src>

<mosaic_0001>
#map = affine_map<(d0, d1) -> (0, 0)>
#map1 = affine_map<(d0, d1) -> (0)>
module attributes {stable_mosaic.version = 14 : i64} {
  func.func @_sc_gather_body(%arg0: i32, %arg1: i32, %arg2: memref<8192x64xf32, #tpu.memory_space<hbm>>, %arg3: memref<65536xi32, #tpu.memory_space<hbm>>, %arg4: memref<65536x64xf32, #tpu.memory_space<hbm>>, %arg5: memref<1024xi32, #tpu.memory_space<vmem>>, %arg6: memref<1024x64xf32, #tpu.memory_space<vmem>>, %arg7: memref<!tpu.dma_semaphore, #tpu.memory_space<semaphore_mem>>) attributes {dimension_semantics = [#tpu.dimension_semantics<core_parallel>, #tpu.dimension_semantics<subcore_parallel>], iteration_bounds = array<i64: 2, 16>, scalar_prefetch = 0 : i64, scratch_operands = 3 : i64, tpu.core_type = #tpu.core_type<sc_vector_subcore>, window_params = [{transform_indices = #map}, {transform_indices = #map1}, {transform_indices = #map}]} {
    %mul3A = arith.constant 2 : i32
    %mul3A_0 = arith.muli %arg1, %mul3A : i32
    %add3A = arith.addi %mul3A_0, %arg0 : i32
    %mul3A_1 = arith.constant 2048 : i32
    %mul3A_2 = arith.muli %add3A, %mul3A_1 : i32
    %add3A_3 = arith.constant 0 : i32
    %add3A_4 = arith.addi %mul3A_2, %add3A_3 : i32
    "tpu.region"() ({
      %run_scoped3A = tpu.sem_alloc : memref<!tpu.dma_semaphore, #tpu.memory_space<semaphore_mem>>
      %dma_start3A_19 = tpu.memref_slice %arg3[%add3A_4] : memref<65536xi32, #tpu.memory_space<hbm>> -> memref<1024xi32, #tpu.memory_space<hbm>>
      %dma_start3A_20 = tpu.memref_slice %arg3[%add3A_4] : memref<65536xi32, #tpu.memory_space<hbm>> -> memref<1024xi32, #tpu.memory_space<hbm>>
      tpu.enqueue_dma source(%dma_start3A_20 : memref<1024xi32, #tpu.memory_space<hbm>>) target(%arg5 : memref<1024xi32, #tpu.memory_space<vmem>>) target_semaphore(%run_scoped3A : memref<!tpu.dma_semaphore, #tpu.memory_space<semaphore_mem>>)
      %dma_wait3A_21 = tpu.memref_slice %arg3[%add3A_4] : memref<65536xi32, #tpu.memory_space<hbm>> -> memref<1024xi32, #tpu.memory_space<hbm>>
      %dma_wait3A_22 = tpu.memref_slice %arg3[%add3A_4] : memref<65536xi32, #tpu.memory_space<hbm>> -> memref<1024xi32, #tpu.memory_space<hbm>>
      tpu.wait_dma2 semaphore(%run_scoped3A : memref<!tpu.dma_semaphore, #tpu.memory_space<semaphore_mem>>) src(%dma_wait3A_22 : memref<1024xi32, #tpu.memory_space<hbm>>) dst(%arg5 : memref<1024xi32, #tpu.memory_space<vmem>>)
      tpu.yield
    }) : () -> ()
    %dma_start3A = arith.constant 0 : i32
    %dma_start3A_5 = arith.constant 0 : i32
    %dma_start3A_6 = tpu.memref_slice %arg2[%dma_start3A, %dma_start3A_5] : memref<8192x64xf32, #tpu.memory_space<hbm>> -> memref<8192x64xf32, #tpu.memory_space<hbm>>
    tpu.enqueue_indirect_dma source(%dma_start3A_6 : memref<8192x64xf32, #tpu.memory_space<hbm>>) target(%arg6 : memref<1024x64xf32, #tpu.memory_space<vmem>>) offsets(%arg5 : memref<1024xi32, #tpu.memory_space<vmem>>) semaphore(%arg7 : memref<!tpu.dma_semaphore, #tpu.memory_space<semaphore_mem>>)
    %dma_wait3A = arith.constant 0 : i32
    %dma_wait3A_7 = arith.constant 0 : i32
    %dma_wait3A_8 = tpu.memref_slice %arg2[%dma_wait3A, %dma_wait3A_7] : memref<8192x64xf32, #tpu.memory_space<hbm>> -> memref<8192x64xf32, #tpu.memory_space<hbm>>
    tpu.wait_indirect_dma semaphore(%arg7 : memref<!tpu.dma_semaphore, #tpu.memory_space<semaphore_mem>>) src(%dma_wait3A_8 : memref<8192x64xf32, #tpu.memory_space<hbm>>) dst(%arg6 : memref<1024x64xf32, #tpu.memory_space<vmem>>)
    "tpu.region"() ({
      %run_scoped3A = tpu.sem_alloc : memref<!tpu.dma_semaphore, #tpu.memory_space<semaphore_mem>>
      %dma_start3A_19 = arith.constant 0 : i32
      %dma_start3A_20 = tpu.memref_slice %arg4[%add3A_4, %dma_start3A_19] : memref<65536x64xf32, #tpu.memory_space<hbm>> -> memref<1024x64xf32, #tpu.memory_space<hbm>>
      %dma_start3A_21 = arith.constant 0 : i32
      %dma_start3A_22 = tpu.memref_slice %arg4[%add3A_4, %dma_start3A_21] : memref<65536x64xf32, #tpu.memory_space<hbm>> -> memref<1024x64xf32, #tpu.memory_space<hbm>>
      tpu.enqueue_dma source(%arg6 : memref<1024x64xf32, #tpu.memory_space<vmem>>) target(%dma_start3A_22 : memref<1024x64xf32, #tpu.memory_space<hbm>>) target_semaphore(%run_scoped3A : memref<!tpu.dma_semaphore, #tpu.memory_space<semaphore_mem>>)
      %dma_wait3A_23 = arith.constant 0 : i32
      %dma_wait3A_24 = tpu.memref_slice %arg4[%add3A_4, %dma_wait3A_23] : memref<65536x64xf32, #tpu.memory_space<hbm>> -> memref<1024x64xf32, #tpu.memory_space<hbm>>
      %dma_wait3A_25 = arith.constant 0 : i32
      %dma_wait3A_26 = tpu.memref_slice %arg4[%add3A_4, %dma_wait3A_25] : memref<65536x64xf32, #tpu.memory_space<hbm>> -> memref<1024x64xf32, #tpu.memory_space<hbm>>
      tpu.wait_dma2 semaphore(%run_scoped3A : memref<!tpu.dma_semaphore, #tpu.memory_space<semaphore_mem>>) src(%arg6 : memref<1024x64xf32, #tpu.memory_space<vmem>>) dst(%dma_wait3A_26 : memref<1024x64xf32, #tpu.memory_space<hbm>>)
      tpu.yield
    }) : () -> ()
    %mul3A_9 = arith.constant 2048 : i32
    %mul3A_10 = arith.muli %add3A, %mul3A_9 : i32
    %add3A_11 = arith.constant 1024 : i32
    %add3A_12 = arith.addi %mul3A_10, %add3A_11 : i32
    "tpu.region"() ({
      %run_scoped3A = tpu.sem_alloc : memref<!tpu.dma_semaphore, #tpu.memory_space<semaphore_mem>>
      %dma_start3A_19 = tpu.memref_slice %arg3[%add3A_12] : memref<65536xi32, #tpu.memory_space<hbm>> -> memref<1024xi32, #tpu.memory_space<hbm>>
      %dma_start3A_20 = tpu.memref_slice %arg3[%add3A_12] : memref<65536xi32, #tpu.memory_space<hbm>> -> memref<1024xi32, #tpu.memory_space<hbm>>
      tpu.enqueue_dma source(%dma_start3A_20 : memref<1024xi32, #tpu.memory_space<hbm>>) target(%arg5 : memref<1024xi32, #tpu.memory_space<vmem>>) target_semaphore(%run_scoped3A : memref<!tpu.dma_semaphore, #tpu.memory_space<semaphore_mem>>)
      %dma_wait3A_21 = tpu.memref_slice %arg3[%add3A_12] : memref<65536xi32, #tpu.memory_space<hbm>> -> memref<1024xi32, #tpu.memory_space<hbm>>
      %dma_wait3A_22 = tpu.memref_slice %arg3[%add3A_12] : memref<65536xi32, #tpu.memory_space<hbm>> -> memref<1024xi32, #tpu.memory_space<hbm>>
      tpu.wait_dma2 semaphore(%run_scoped3A : memref<!tpu.dma_semaphore, #tpu.memory_space<semaphore_mem>>) src(%dma_wait3A_22 : memref<1024xi32, #tpu.memory_space<hbm>>) dst(%arg5 : memref<1024xi32, #tpu.memory_space<vmem>>)
      tpu.yield
    }) : () -> ()
    %dma_start3A_13 = arith.constant 0 : i32
    %dma_start3A_14 = arith.constant 0 : i32
    %dma_start3A_15 = tpu.memref_slice %arg2[%dma_start3A_13, %dma_start3A_14] : memref<8192x64xf32, #tpu.memory_space<hbm>> -> memref<8192x64xf32, #tpu.memory_space<hbm>>
    tpu.enqueue_indirect_dma source(%dma_start3A_15 : memref<8192x64xf32, #tpu.memory_space<hbm>>) target(%arg6 : memref<1024x64xf32, #tpu.memory_space<vmem>>) offsets(%arg5 : memref<1024xi32, #tpu.memory_space<vmem>>) semaphore(%arg7 : memref<!tpu.dma_semaphore, #tpu.memory_space<semaphore_mem>>)
    %dma_wait3A_16 = arith.constant 0 : i32
    %dma_wait3A_17 = arith.constant 0 : i32
    %dma_wait3A_18 = tpu.memref_slice %arg2[%dma_wait3A_16, %dma_wait3A_17] : memref<8192x64xf32, #tpu.memory_space<hbm>> -> memref<8192x64xf32, #tpu.memory_space<hbm>>
    tpu.wait_indirect_dma semaphore(%arg7 : memref<!tpu.dma_semaphore, #tpu.memory_space<semaphore_mem>>) src(%dma_wait3A_18 : memref<8192x64xf32, #tpu.memory_space<hbm>>) dst(%arg6 : memref<1024x64xf32, #tpu.memory_space<vmem>>)
    "tpu.region"() ({
      %run_scoped3A = tpu.sem_alloc : memref<!tpu.dma_semaphore, #tpu.memory_space<semaphore_mem>>
      %dma_start3A_19 = arith.constant 0 : i32
      %dma_start3A_20 = tpu.memref_slice %arg4[%add3A_12, %dma_start3A_19] : memref<65536x64xf32, #tpu.memory_space<hbm>> -> memref<1024x64xf32, #tpu.memory_space<hbm>>
      %dma_start3A_21 = arith.constant 0 : i32
      %dma_start3A_22 = tpu.memref_slice %arg4[%add3A_12, %dma_start3A_21] : memref<65536x64xf32, #tpu.memory_space<hbm>> -> memref<1024x64xf32, #tpu.memory_space<hbm>>
      tpu.enqueue_dma source(%arg6 : memref<1024x64xf32, #tpu.memory_space<vmem>>) target(%dma_start3A_22 : memref<1024x64xf32, #tpu.memory_space<hbm>>) target_semaphore(%run_scoped3A : memref<!tpu.dma_semaphore, #tpu.memory_space<semaphore_mem>>)
      %dma_wait3A_23 = arith.constant 0 : i32
      %dma_wait3A_24 = tpu.memref_slice %arg4[%add3A_12, %dma_wait3A_23] : memref<65536x64xf32, #tpu.memory_space<hbm>> -> memref<1024x64xf32, #tpu.memory_space<hbm>>
      %dma_wait3A_25 = arith.constant 0 : i32
      %dma_wait3A_26 = tpu.memref_slice %arg4[%add3A_12, %dma_wait3A_25] : memref<65536x64xf32, #tpu.memory_space<hbm>> -> memref<1024x64xf32, #tpu.memory_space<hbm>>
      tpu.wait_dma2 semaphore(%run_scoped3A : memref<!tpu.dma_semaphore, #tpu.memory_space<semaphore_mem>>) src(%arg6 : memref<1024x64xf32, #tpu.memory_space<vmem>>) dst(%dma_wait3A_26 : memref<1024x64xf32, #tpu.memory_space<hbm>>)
      tpu.yield
    }) : () -> ()
    return
  }
}

module attributes {stable_mosaic.version = 14 : i64} {
  func.func @_stage1_body(%arg0: i32, %arg1: memref<1x1024x64xf32, #tpu.memory_space<vmem>>, %arg2: memref<8192x64xf32, #tpu.memory_space<vmem>>, %arg3: memref<1x1024x8xi32, #tpu.memory_space<vmem>>, %arg4: memref<1024x8192xf32, #tpu.memory_space<vmem>>) attributes {dimension_semantics = [#tpu.dimension_semantics<arbitrary>], iteration_bounds = array<i64: 8>, scalar_prefetch = 0 : i64, scratch_operands = 1 : i64, tpu.core_type = #tpu.core_type<tc>, window_params = [{transform_indices = @transform_0, window_bounds = array<i64: 1, 1024, 64>}, {pipeline_mode = #tpu.pipeline_mode<synchronous>, transform_indices = @transform_1, window_bounds = array<i64: 8192, 64>}, {transform_indices = @transform_2, window_bounds = array<i64: 1, 1024, 8>}]} {
    %get3A = arith.constant 0 : index
    %get3A_0 = arith.constant 0 : index
    %get3A_1 = arith.constant 0 : index
    %get3A_2 = vector.load %arg1[%get3A, %get3A_0, %get3A_1] : memref<1x1024x64xf32, #tpu.memory_space<vmem>>, vector<1x1024x64xf32>
    %get3A_3 = vector.shape_cast %get3A_2 : vector<1x1024x64xf32> to vector<1024x64xf32>
    %scan3A = arith.constant 0 : i32
    %scan3A_4 = arith.constant 32 : i32
    %scan3A_5 = arith.addi %scan3A, %scan3A_4 : i32
    %scan3A_6 = arith.constant 1 : i32
    scf.for %scan3A_110 = %scan3A to %scan3A_5 step %scan3A_6  : i32 {
      %mul3A = arith.constant 256 : i32
      %mul3A_111 = arith.muli %scan3A_110, %mul3A : i32
      %get3A_112 = arith.index_cast %mul3A_111 : i32 to index
      %get3A_113 = arith.constant 0 : index
      %get3A_114 = vector.load %arg2[%get3A_112, %get3A_113] : memref<8192x64xf32, #tpu.memory_space<vmem>>, vector<256x64xf32>
      %dot_general3A = arith.constant dense<0.000000e+00> : vector<1024x256xf32>
      %dot_general3A_115 = tpu.matmul %get3A_3, %get3A_114, %dot_general3A {dimension_numbers = #tpu.dot_dimension_numbers<[1], [1], [0], [0], [0, 0, 1, 0], [], []>, transpose_lhs_hint = false} : vector<1024x64xf32>, vector<256x64xf32>, vector<1024x256xf32> -> vector<1024x256xf32>
      %mul3A_116 = arith.constant 256 : i32
      %mul3A_117 = arith.muli %scan3A_110, %mul3A_116 : i32
      %swap3A_118 = arith.constant 0 : index
      %swap3A_119 = arith.index_cast %mul3A_117 : i32 to index
      %swap3A_120 = vector.load %arg4[%swap3A_118, %swap3A_119] : memref<1024x8192xf32, #tpu.memory_space<vmem>>, vector<1024x256xf32>
      tpu.vector_store %arg4[%swap3A_118, %swap3A_119], %dot_general3A_115 {strides = array<i32>} : memref<1024x8192xf32, #tpu.memory_space<vmem>>, vector<1024x256xf32>,
    }
    %scan3A_7 = arith.constant 32 : i32
    %iota3A = tpu.iota {dimensions = array<i32: 1>} : vector<1024x256xi32>
    %broadcast_in_dim3A = arith.constant 0xFF800000 : f32
    %broadcast_in_dim3A_8 = vector.broadcast %broadcast_in_dim3A : f32 to vector<1024x1xf32>
    %broadcast_in_dim3A_9 = arith.constant 8192 : i32
    %broadcast_in_dim3A_10 = vector.broadcast %broadcast_in_dim3A_9 : i32 to vector<1024x1xi32>
    %scan3A_11 = arith.constant 0 : i32
    %scan3A_12 = arith.constant 32 : i32
    %scan3A_13 = arith.addi %scan3A_11, %scan3A_12 : i32
    %scan3A_14 = arith.constant 1 : i32
    %scan3A_15:2 = scf.for %scan3A_110 = %scan3A_11 to %scan3A_13 step %scan3A_14 iter_args(%scan3A_111 = %broadcast_in_dim3A_8, %scan3A_112 = %broadcast_in_dim3A_10) -> (vector<1024x1xf32>, vector<1024x1xi32>)  : i32 {
      %mul3A = arith.constant 256 : i32
      %mul3A_113 = arith.muli %scan3A_110, %mul3A : i32
      %get3A_114 = arith.constant 0 : index
      %get3A_115 = arith.index_cast %mul3A_113 : i32 to index
      %get3A_116 = vector.load %arg4[%get3A_114, %get3A_115] : memref<1024x8192xf32, #tpu.memory_space<vmem>>, vector<1024x256xf32>
      %mul3A_117 = arith.constant 256 : i32
      %mul3A_118 = arith.muli %scan3A_110, %mul3A_117 : i32
      %add3A = vector.broadcast %mul3A_118 : i32 to vector<1024x256xi32>
      %add3A_119 = arith.addi %iota3A, %add3A : vector<1024x256xi32>
      %reduce_max3A = arith.constant dense<0xFF800000> : vector<1024xf32>
      %reduce_max3A_120 = vector.multi_reduction <maximumf>, %get3A_116, %reduce_max3A [1] : vector<1024x256xf32> to vector<1024xf32>
      %broadcast_in_dim3A_121 = vector.shape_cast %reduce_max3A_120 : vector<1024xf32> to vector<1024x1xf32>
      %eq3A = vector.broadcast %broadcast_in_dim3A_121 : vector<1024x1xf32> to vector<1024x256xf32>
      %eq3A_122 = arith.cmpf oeq, %get3A_116, %eq3A : vector<1024x256xf32>
      %jit3A = arith.constant 8192 : i32
      %broadcast_in_dim3A_123 = vector.broadcast %jit3A : i32 to vector<1024x256xi32>
      %select_n3A = arith.select %eq3A_122, %add3A_119, %broadcast_in_dim3A_123 : vector<1024x256xi1>, vector<1024x256xi32>
      %reduce_min3A = arith.constant dense<2147483647> : vector<1024xi32>
      %reduce_min3A_124 = vector.multi_reduction <minsi>, %select_n3A, %reduce_min3A [1] : vector<1024x256xi32> to vector<1024xi32>
      %broadcast_in_dim3A_125 = vector.shape_cast %reduce_min3A_124 : vector<1024xi32> to vector<1024x1xi32>
      %gt3A = arith.cmpf ogt, %broadcast_in_dim3A_121, %scan3A_111 : vector<1024x1xf32>
      %select_n3A_126 = arith.select %gt3A, %broadcast_in_dim3A_121, %scan3A_111 : vector<1024x1xi1>, vector<1024x1xf32>
      %select_n3A_127 = arith.select %gt3A, %broadcast_in_dim3A_125, %scan3A_112 : vector<1024x1xi1>, vector<1024x1xi32>
      scf.yield %select_n3A_126, %select_n3A_127 : vector<1024x1xf32>, vector<1024x1xi32>
    }
    %scan3A_16 = arith.constant 32 : i32
    %broadcast_in_dim3A_17 = arith.constant 0xFF800000 : f32
    %broadcast_in_dim3A_18 = vector.broadcast %broadcast_in_dim3A_17 : f32 to vector<1024x1xf32>
    %broadcast_in_dim3A_19 = arith.constant 8192 : i32
    %broadcast_in_dim3A_20 = vector.broadcast %broadcast_in_dim3A_19 : i32 to vector<1024x1xi32>
    %scan3A_21 = arith.constant 0 : i32
    %scan3A_22 = arith.constant 32 : i32
    %scan3A_23 = arith.addi %scan3A_21, %scan3A_22 : i32
    %scan3A_24 = arith.constant 1 : i32
    %scan3A_25:2 = scf.for %scan3A_110 = %scan3A_21 to %scan3A_23 step %scan3A_24 iter_args(%scan3A_111 = %broadcast_in_dim3A_18, %scan3A_112 = %broadcast_in_dim3A_20) -> (vector<1024x1xf32>, vector<1024x1xi32>)  : i32 {
      %mul3A = arith.constant 256 : i32
      %mul3A_113 = arith.muli %scan3A_110, %mul3A : i32
      %get3A_114 = arith.constant 0 : index
      %get3A_115 = arith.index_cast %mul3A_113 : i32 to index
      %get3A_116 = vector.load %arg4[%get3A_114, %get3A_115] : memref<1024x8192xf32, #tpu.memory_space<vmem>>, vector<1024x256xf32>
      %mul3A_117 = arith.constant 256 : i32
      %mul3A_118 = arith.muli %scan3A_110, %mul3A_117 : i32
      %add3A = vector.broadcast %mul3A_118 : i32 to vector<1024x256xi32>
      %add3A_119 = arith.addi %iota3A, %add3A : vector<1024x256xi32>
      %lt3A = vector.broadcast %scan3A_15#0 : vector<1024x1xf32> to vector<1024x256xf32>
      %lt3A_120 = arith.cmpf olt, %get3A_116, %lt3A : vector<1024x256xf32>
      %eq3A = vector.broadcast %scan3A_15#0 : vector<1024x1xf32> to vector<1024x256xf32>
      %eq3A_121 = arith.cmpf oeq, %get3A_116, %eq3A : vector<1024x256xf32>
      %gt3A = vector.broadcast %scan3A_15#1 : vector<1024x1xi32> to vector<1024x256xi32>
      %gt3A_122 = arith.cmpi sgt, %add3A_119, %gt3A : vector<1024x256xi32>
      %and3A = arith.andi %eq3A_121, %gt3A_122 : vector<1024x256xi1>
      %or3A = arith.ori %lt3A_120, %and3A : vector<1024x256xi1>
      %jit3A = arith.constant 0xFF800000 : f32
      %broadcast_in_dim3A_123 = vector.broadcast %jit3A : f32 to vector<1024x256xf32>
      %select_n3A = arith.select %or3A, %get3A_116, %broadcast_in_dim3A_123 : vector<1024x256xi1>, vector<1024x256xf32>
      %reduce_max3A = arith.constant dense<0xFF800000> : vector<1024xf32>
      %reduce_max3A_124 = vector.multi_reduction <maximumf>, %select_n3A, %reduce_max3A [1] : vector<1024x256xf32> to vector<1024xf32>
      %broadcast_in_dim3A_125 = vector.shape_cast %reduce_max3A_124 : vector<1024xf32> to vector<1024x1xf32>
      %eq3A_126 = vector.broadcast %broadcast_in_dim3A_125 : vector<1024x1xf32> to vector<1024x256xf32>
      %eq3A_127 = arith.cmpf oeq, %select_n3A, %eq3A_126 : vector<1024x256xf32>
      %jit3A_128 = arith.constant 8192 : i32
      %broadcast_in_dim3A_129 = vector.broadcast %jit3A_128 : i32 to vector<1024x256xi32>
      %select_n3A_130 = arith.select %eq3A_127, %add3A_119, %broadcast_in_dim3A_129 : vector<1024x256xi1>, vector<1024x256xi32>
      %reduce_min3A = arith.constant dense<2147483647> : vector<1024xi32>
      %reduce_min3A_131 = vector.multi_reduction <minsi>, %select_n3A_130, %reduce_min3A [1] : vector<1024x256xi32> to vector<1024xi32>
      %broadcast_in_dim3A_132 = vector.shape_cast %reduce_min3A_131 : vector<1024xi32> to vector<1024x1xi32>
      %gt3A_133 = arith.cmpf ogt, %broadcast_in_dim3A_125, %scan3A_111 : vector<1024x1xf32>
      %select_n3A_134 = arith.select %gt3A_133, %broadcast_in_dim3A_125, %scan3A_111 : vector<1024x1xi1>, vector<1024x1xf32>
      %select_n3A_135 = arith.select %gt3A_133, %broadcast_in_dim3A_132, %scan3A_112 : vector<1024x1xi1>, vector<1024x1xi32>
      scf.yield %select_n3A_134, %select_n3A_135 : vector<1024x1xf32>, vector<1024x1xi32>
    }
    %scan3A_26 = arith.constant 32 : i32
    %broadcast_in_dim3A_27 = arith.constant 0xFF800000 : f32
    %broadcast_in_dim3A_28 = vector.broadcast %broadcast_in_dim3A_27 : f32 to vector<1024x1xf32>
    %broadcast_in_dim3A_29 = arith.constant 8192 : i32
    %broadcast_in_dim3A_30 = vector.broadcast %broadcast_in_dim3A_29 : i32 to vector<1024x1xi32>
    %scan3A_31 = arith.constant 0 : i32
    %scan3A_32 = arith.constant 32 : i32
    %scan3A_33 = arith.addi %scan3A_31, %scan3A_32 : i32
    %scan3A_34 = arith.constant 1 : i32
    %scan3A_35:2 = scf.for %scan3A_110 = %scan3A_31 to %scan3A_33 step %scan3A_34 iter_args(%scan3A_111 = %broadcast_in_dim3A_28, %scan3A_112 = %broadcast_in_dim3A_30) -> (vector<1024x1xf32>, vector<1024x1xi32>)  : i32 {
      %mul3A = arith.constant 256 : i32
      %mul3A_113 = arith.muli %scan3A_110, %mul3A : i32
      %get3A_114 = arith.constant 0 : index
      %get3A_115 = arith.index_cast %mul3A_113 : i32 to index
      %get3A_116 = vector.load %arg4[%get3A_114, %get3A_115] : memref<1024x8192xf32, #tpu.memory_space<vmem>>, vector<1024x256xf32>
      %mul3A_117 = arith.constant 256 : i32
      %mul3A_118 = arith.muli %scan3A_110, %mul3A_117 : i32
      %add3A = vector.broadcast %mul3A_118 : i32 to vector<1024x256xi32>
      %add3A_119 = arith.addi %iota3A, %add3A : vector<1024x256xi32>
      %lt3A = vector.broadcast %scan3A_25#0 : vector<1024x1xf32> to vector<1024x256xf32>
      %lt3A_120 = arith.cmpf olt, %get3A_116, %lt3A : vector<1024x256xf32>
      %eq3A = vector.broadcast %scan3A_25#0 : vector<1024x1xf32> to vector<1024x256xf32>
      %eq3A_121 = arith.cmpf oeq, %get3A_116, %eq3A : vector<1024x256xf32>
      %gt3A = vector.broadcast %scan3A_25#1 : vector<1024x1xi32> to vector<1024x256xi32>
      %gt3A_122 = arith.cmpi sgt, %add3A_119, %gt3A : vector<1024x256xi32>
      %and3A = arith.andi %eq3A_121, %gt3A_122 : vector<1024x256xi1>
      %or3A = arith.ori %lt3A_120, %and3A : vector<1024x256xi1>
      %jit3A = arith.constant 0xFF800000 : f32
      %broadcast_in_dim3A_123 = vector.broadcast %jit3A : f32 to vector<1024x256xf32>
      %select_n3A = arith.select %or3A, %get3A_116, %broadcast_in_dim3A_123 : vector<1024x256xi1>, vector<1024x256xf32>
      %reduce_max3A = arith.constant dense<0xFF800000> : vector<1024xf32>
      %reduce_max3A_124 = vector.multi_reduction <maximumf>, %select_n3A, %reduce_max3A [1] : vector<1024x256xf32> to vector<1024xf32>
      %broadcast_in_dim3A_125 = vector.shape_cast %reduce_max3A_124 : vector<1024xf32> to vector<1024x1xf32>
      %eq3A_126 = vector.broadcast %broadcast_in_dim3A_125 : vector<1024x1xf32> to vector<1024x256xf32>
      %eq3A_127 = arith.cmpf oeq, %select_n3A, %eq3A_126 : vector<1024x256xf32>
      %jit3A_128 = arith.constant 8192 : i32
      %broadcast_in_dim3A_129 = vector.broadcast %jit3A_128 : i32 to vector<1024x256xi32>
      %select_n3A_130 = arith.select %eq3A_127, %add3A_119, %broadcast_in_dim3A_129 : vector<1024x256xi1>, vector<1024x256xi32>
      %reduce_min3A = arith.constant dense<2147483647> : vector<1024xi32>
      %reduce_min3A_131 = vector.multi_reduction <minsi>, %select_n3A_130, %reduce_min3A [1] : vector<1024x256xi32> to vector<1024xi32>
      %broadcast_in_dim3A_132 = vector.shape_cast %reduce_min3A_131 : vector<1024xi32> to vector<1024x1xi32>
      %gt3A_133 = arith.cmpf ogt, %broadcast_in_dim3A_125, %scan3A_111 : vector<1024x1xf32>
      %select_n3A_134 = arith.select %gt3A_133, %broadcast_in_dim3A_125, %scan3A_111 : vector<1024x1xi1>, vector<1024x1xf32>
      %select_n3A_135 = arith.select %gt3A_133, %broadcast_in_dim3A_132, %scan3A_112 : vector<1024x1xi1>, vector<1024x1xi32>
      scf.yield %select_n3A_134, %select_n3A_135 : vector<1024x1xf32>, vector<1024x1xi32>
    }
    %scan3A_36 = arith.constant 32 : i32
    %broadcast_in_dim3A_37 = arith.constant 0xFF800000 : f32
    %broadcast_in_dim3A_38 = vector.broadcast %broadcast_in_dim3A_37 : f32 to vector<1024x1xf32>
    %broadcast_in_dim3A_39 = arith.constant 8192 : i32
    %broadcast_in_dim3A_40 = vector.broadcast %broadcast_in_dim3A_39 : i32 to vector<1024x1xi32>
    %scan3A_41 = arith.constant 0 : i32
    %scan3A_42 = arith.constant 32 : i32
    %scan3A_43 = arith.addi %scan3A_41, %scan3A_42 : i32
    %scan3A_44 = arith.constant 1 : i32
    %scan3A_45:2 = scf.for %scan3A_110 = %scan3A_41 to %scan3A_43 step %scan3A_44 iter_args(%scan3A_111 = %broadcast_in_dim3A_38, %scan3A_112 = %broadcast_in_dim3A_40) -> (vector<1024x1xf32>, vector<1024x1xi32>)  : i32 {
      %mul3A = arith.constant 256 : i32
      %mul3A_113 = arith.muli %scan3A_110, %mul3A : i32
      %get3A_114 = arith.constant 0 : index
      %get3A_115 = arith.index_cast %mul3A_113 : i32 to index
      %get3A_116 = vector.load %arg4[%get3A_114, %get3A_115] : memref<1024x8192xf32, #tpu.memory_space<vmem>>, vector<1024x256xf32>
      %mul3A_117 = arith.constant 256 : i32
      %mul3A_118 = arith.muli %scan3A_110, %mul3A_117 : i32
      %add3A = vector.broadcast %mul3A_118 : i32 to vector<1024x256xi32>
      %add3A_119 = arith.addi %iota3A, %add3A : vector<1024x256xi32>
      %lt3A = vector.broadcast %scan3A_35#0 : vector<1024x1xf32> to vector<1024x256xf32>
      %lt3A_120 = arith.cmpf olt, %get3A_116, %lt3A : vector<1024x256xf32>
      %eq3A = vector.broadcast %scan3A_35#0 : vector<1024x1xf32> to vector<1024x256xf32>
      %eq3A_121 = arith.cmpf oeq, %get3A_116, %eq3A : vector<1024x256xf32>
      %gt3A = vector.broadcast %scan3A_35#1 : vector<1024x1xi32> to vector<1024x256xi32>
      %gt3A_122 = arith.cmpi sgt, %add3A_119, %gt3A : vector<1024x256xi32>
      %and3A = arith.andi %eq3A_121, %gt3A_122 : vector<1024x256xi1>
      %or3A = arith.ori %lt3A_120, %and3A : vector<1024x256xi1>
      %jit3A = arith.constant 0xFF800000 : f32
      %broadcast_in_dim3A_123 = vector.broadcast %jit3A : f32 to vector<1024x256xf32>
      %select_n3A = arith.select %or3A, %get3A_116, %broadcast_in_dim3A_123 : vector<1024x256xi1>, vector<1024x256xf32>
      %reduce_max3A = arith.constant dense<0xFF800000> : vector<1024xf32>
      %reduce_max3A_124 = vector.multi_reduction <maximumf>, %select_n3A, %reduce_max3A [1] : vector<1024x256xf32> to vector<1024xf32>
      %broadcast_in_dim3A_125 = vector.shape_cast %reduce_max3A_124 : vector<1024xf32> to vector<1024x1xf32>
      %eq3A_126 = vector.broadcast %broadcast_in_dim3A_125 : vector<1024x1xf32> to vector<1024x256xf32>
      %eq3A_127 = arith.cmpf oeq, %select_n3A, %eq3A_126 : vector<1024x256xf32>
      %jit3A_128 = arith.constant 8192 : i32
      %broadcast_in_dim3A_129 = vector.broadcast %jit3A_128 : i32 to vector<1024x256xi32>
      %select_n3A_130 = arith.select %eq3A_127, %add3A_119, %broadcast_in_dim3A_129 : vector<1024x256xi1>, vector<1024x256xi32>
      %reduce_min3A = arith.constant dense<2147483647> : vector<1024xi32>
      %reduce_min3A_131 = vector.multi_reduction <minsi>, %select_n3A_130, %reduce_min3A [1] : vector<1024x256xi32> to vector<1024xi32>
      %broadcast_in_dim3A_132 = vector.shape_cast %reduce_min3A_131 : vector<1024xi32> to vector<1024x1xi32>
      %gt3A_133 = arith.cmpf ogt, %broadcast_in_dim3A_125, %scan3A_111 : vector<1024x1xf32>
      %select_n3A_134 = arith.select %gt3A_133, %broadcast_in_dim3A_125, %scan3A_111 : vector<1024x1xi1>, vector<1024x1xf32>
      %select_n3A_135 = arith.select %gt3A_133, %broadcast_in_dim3A_132, %scan3A_112 : vector<1024x1xi1>, vector<1024x1xi32>
      scf.yield %select_n3A_134, %select_n3A_135 : vector<1024x1xf32>, vector<1024x1xi32>
    }
    %scan3A_46 = arith.constant 32 : i32
    %broadcast_in_dim3A_47 = arith.constant 0xFF800000 : f32
    %broadcast_in_dim3A_48 = vector.broadcast %broadcast_in_dim3A_47 : f32 to vector<1024x1xf32>
    %broadcast_in_dim3A_49 = arith.constant 8192 : i32
    %broadcast_in_dim3A_50 = vector.broadcast %broadcast_in_dim3A_49 : i32 to vector<1024x1xi32>
    %scan3A_51 = arith.constant 0 : i32
    %scan3A_52 = arith.constant 32 : i32
    %scan3A_53 = arith.addi %scan3A_51, %scan3A_52 : i32
    %scan3A_54 = arith.constant 1 : i32
    %scan3A_55:2 = scf.for %scan3A_110 = %scan3A_51 to %scan3A_53 step %scan3A_54 iter_args(%scan3A_111 = %broadcast_in_dim3A_48, %scan3A_112 = %broadcast_in_dim3A_50) -> (vector<1024x1xf32>, vector<1024x1xi32>)  : i32 {
      %mul3A = arith.constant 256 : i32
      %mul3A_113 = arith.muli %scan3A_110, %mul3A : i32
      %get3A_114 = arith.constant 0 : index
      %get3A_115 = arith.index_cast %mul3A_113 : i32 to index
      %get3A_116 = vector.load %arg4[%get3A_114, %get3A_115] : memref<1024x8192xf32, #tpu.memory_space<vmem>>, vector<1024x256xf32>
      %mul3A_117 = arith.constant 256 : i32
      %mul3A_118 = arith.muli %scan3A_110, %mul3A_117 : i32
      %add3A = vector.broadcast %mul3A_118 : i32 to vector<1024x256xi32>
      %add3A_119 = arith.addi %iota3A, %add3A : vector<1024x256xi32>
      %lt3A = vector.broadcast %scan3A_45#0 : vector<1024x1xf32> to vector<1024x256xf32>
      %lt3A_120 = arith.cmpf olt, %get3A_116, %lt3A : vector<1024x256xf32>
      %eq3A = vector.broadcast %scan3A_45#0 : vector<1024x1xf32> to vector<1024x256xf32>
      %eq3A_121 = arith.cmpf oeq, %get3A_116, %eq3A : vector<1024x256xf32>
      %gt3A = vector.broadcast %scan3A_45#1 : vector<1024x1xi32> to vector<1024x256xi32>
      %gt3A_122 = arith.cmpi sgt, %add3A_119, %gt3A : vector<1024x256xi32>
      %and3A = arith.andi %eq3A_121, %gt3A_122 : vector<1024x256xi1>
      %or3A = arith.ori %lt3A_120, %and3A : vector<1024x256xi1>
      %jit3A = arith.constant 0xFF800000 : f32
      %broadcast_in_dim3A_123 = vector.broadcast %jit3A : f32 to vector<1024x256xf32>
      %select_n3A = arith.select %or3A, %get3A_116, %broadcast_in_dim3A_123 : vector<1024x256xi1>, vector<1024x256xf32>
      %reduce_max3A = arith.constant dense<0xFF800000> : vector<1024xf32>
      %reduce_max3A_124 = vector.multi_reduction <maximumf>, %select_n3A, %reduce_max3A [1] : vector<1024x256xf32> to vector<1024xf32>
      %broadcast_in_dim3A_125 = vector.shape_cast %reduce_max3A_124 : vector<1024xf32> to vector<1024x1xf32>
      %eq3A_126 = vector.broadcast %broadcast_in_dim3A_125 : vector<1024x1xf32> to vector<1024x256xf32>
      %eq3A_127 = arith.cmpf oeq, %select_n3A, %eq3A_126 : vector<1024x256xf32>
      %jit3A_128 = arith.constant 8192 : i32
      %broadcast_in_dim3A_129 = vector.broadcast %jit3A_128 : i32 to vector<1024x256xi32>
      %select_n3A_130 = arith.select %eq3A_127, %add3A_119, %broadcast_in_dim3A_129 : vector<1024x256xi1>, vector<1024x256xi32>
      %reduce_min3A = arith.constant dense<2147483647> : vector<1024xi32>
      %reduce_min3A_131 = vector.multi_reduction <minsi>, %select_n3A_130, %reduce_min3A [1] : vector<1024x256xi32> to vector<1024xi32>
      %broadcast_in_dim3A_132 = vector.shape_cast %reduce_min3A_131 : vector<1024xi32> to vector<1024x1xi32>
      %gt3A_133 = arith.cmpf ogt, %broadcast_in_dim3A_125, %scan3A_111 : vector<1024x1xf32>
      %select_n3A_134 = arith.select %gt3A_133, %broadcast_in_dim3A_125, %scan3A_111 : vector<1024x1xi1>, vector<1024x1xf32>
      %select_n3A_135 = arith.select %gt3A_133, %broadcast_in_dim3A_132, %scan3A_112 : vector<1024x1xi1>, vector<1024x1xi32>
      scf.yield %select_n3A_134, %select_n3A_135 : vector<1024x1xf32>, vector<1024x1xi32>
    }
    %scan3A_56 = arith.constant 32 : i32
    %swap3A = arith.constant 0 : index
    %swap3A_57 = arith.constant 0 : index
    %swap3A_58 = arith.constant 0 : index
    %swap3A_59 = vector.load %arg3[%swap3A, %swap3A_57, %swap3A_58] : memref<1x1024x8xi32, #tpu.memory_space<vmem>>, vector<1x1024x1xi32>
    %swap3A_60 = vector.shape_cast %swap3A_59 : vector<1x1024x1xi32> to vector<1024x1xi32>
    %swap3A_61 = vector.shape_cast %scan3A_15#1 : vector<1024x1xi32> to vector<1x1024x1xi32>
    tpu.vector_store %arg3[%swap3A, %swap3A_57, %swap3A_58], %swap3A_61 {strides = array<i32>} : memref<1x1024x8xi32, #tpu.memory_space<vmem>>, vector<1x1024x1xi32>,
    %swap3A_62 = arith.constant 0 : index
    %swap3A_63 = arith.constant 0 : index
    %swap3A_64 = arith.constant 1 : index
    %swap3A_65 = vector.load %arg3[%swap3A_62, %swap3A_63, %swap3A_64] : memref<1x1024x8xi32, #tpu.memory_space<vmem>>, vector<1x1024x1xi32>
    %swap3A_66 = vector.shape_cast %swap3A_65 : vector<1x1024x1xi32> to vector<1024x1xi32>
    %swap3A_67 = vector.shape_cast %scan3A_25#1 : vector<1024x1xi32> to vector<1x1024x1xi32>
    tpu.vector_store %arg3[%swap3A_62, %swap3A_63, %swap3A_64], %swap3A_67 {strides = array<i32>} : memref<1x1024x8xi32, #tpu.memory_space<vmem>>, vector<1x1024x1xi32>,
    %swap3A_68 = arith.constant 0 : index
    %swap3A_69 = arith.constant 0 : index
    %swap3A_70 = arith.constant 2 : index
    %swap3A_71 = vector.load %arg3[%swap3A_68, %swap3A_69, %swap3A_70] : memref<1x1024x8xi32, #tpu.memory_space<vmem>>, vector<1x1024x1xi32>
    %swap3A_72 = vector.shape_cast %swap3A_71 : vector<1x1024x1xi32> to vector<1024x1xi32>
    %swap3A_73 = vector.shape_cast %scan3A_35#1 : vector<1024x1xi32> to vector<1x1024x1xi32>
    tpu.vector_store %arg3[%swap3A_68, %swap3A_69, %swap3A_70], %swap3A_73 {strides = array<i32>} : memref<1x1024x8xi32, #tpu.memory_space<vmem>>, vector<1x1024x1xi32>,
    %swap3A_74 = arith.constant 0 : index
    %swap3A_75 = arith.constant 0 : index
    %swap3A_76 = arith.constant 3 : index
    %swap3A_77 = vector.load %arg3[%swap3A_74, %swap3A_75, %swap3A_76] : memref<1x1024x8xi32, #tpu.memory_space<vmem>>, vector<1x1024x1xi32>
    %swap3A_78 = vector.shape_cast %swap3A_77 : vector<1x1024x1xi32> to vector<1024x1xi32>
    %swap3A_79 = vector.shape_cast %scan3A_45#1 : vector<1024x1xi32> to vector<1x1024x1xi32>
    tpu.vector_store %arg3[%swap3A_74, %swap3A_75, %swap3A_76], %swap3A_79 {strides = array<i32>} : memref<1x1024x8xi32, #tpu.memory_space<vmem>>, vector<1x1024x1xi32>,
    %swap3A_80 = arith.constant 0 : index
    %swap3A_81 = arith.constant 0 : index
    %swap3A_82 = arith.constant 4 : index
    %swap3A_83 = vector.load %arg3[%swap3A_80, %swap3A_81, %swap3A_82] : memref<1x1024x8xi32, #tpu.memory_space<vmem>>, vector<1x1024x1xi32>
    %swap3A_84 = vector.shape_cast %swap3A_83 : vector<1x1024x1xi32> to vector<1024x1xi32>
    %swap3A_85 = vector.shape_cast %scan3A_55#1 : vector<1024x1xi32> to vector<1x1024x1xi32>
    tpu.vector_store %arg3[%swap3A_80, %swap3A_81, %swap3A_82], %swap3A_85 {strides = array<i32>} : memref<1x1024x8xi32, #tpu.memory_space<vmem>>, vector<1x1024x1xi32>,
    %broadcast_in_dim3A_86 = arith.constant 0 : i32
    %broadcast_in_dim3A_87 = vector.broadcast %broadcast_in_dim3A_86 : i32 to vector<1024x1xi32>
    %swap3A_88 = arith.constant 0 : index
    %swap3A_89 = arith.constant 0 : index
    %swap3A_90 = arith.constant 5 : index
    %swap3A_91 = vector.load %arg3[%swap3A_88, %swap3A_89, %swap3A_90] : memref<1x1024x8xi32, #tpu.memory_space<vmem>>, vector<1x1024x1xi32>
    %swap3A_92 = vector.shape_cast %swap3A_91 : vector<1x1024x1xi32> to vector<1024x1xi32>
    %swap3A_93 = vector.shape_cast %broadcast_in_dim3A_87 : vector<1024x1xi32> to vector<1x1024x1xi32>
    tpu.vector_store %arg3[%swap3A_88, %swap3A_89, %swap3A_90], %swap3A_93 {strides = array<i32>} : memref<1x1024x8xi32, #tpu.memory_space<vmem>>, vector<1x1024x1xi32>,
    %broadcast_in_dim3A_94 = arith.constant 0 : i32
    %broadcast_in_dim3A_95 = vector.broadcast %broadcast_in_dim3A_94 : i32 to vector<1024x1xi32>
    %swap3A_96 = arith.constant 0 : index
    %swap3A_97 = arith.constant 0 : index
    %swap3A_98 = arith.constant 6 : index
    %swap3A_99 = vector.load %arg3[%swap3A_96, %swap3A_97, %swap3A_98] : memref<1x1024x8xi32, #tpu.memory_space<vmem>>, vector<1x1024x1xi32>
    %swap3A_100 = vector.shape_cast %swap3A_99 : vector<1x1024x1xi32> to vector<1024x1xi32>
    %swap3A_101 = vector.shape_cast %broadcast_in_dim3A_95 : vector<1024x1xi32> to vector<1x1024x1xi32>
    tpu.vector_store %arg3[%swap3A_96, %swap3A_97, %swap3A_98], %swap3A_101 {strides = array<i32>} : memref<1x1024x8xi32, #tpu.memory_space<vmem>>, vector<1x1024x1xi32>,
    %broadcast_in_dim3A_102 = arith.constant 0 : i32
    %broadcast_in_dim3A_103 = vector.broadcast %broadcast_in_dim3A_102 : i32 to vector<1024x1xi32>
    %swap3A_104 = arith.constant 0 : index
    %swap3A_105 = arith.constant 0 : index
    %swap3A_106 = arith.constant 7 : index
    %swap3A_107 = vector.load %arg3[%swap3A_104, %swap3A_105, %swap3A_106] : memref<1x1024x8xi32, #tpu.memory_space<vmem>>, vector<1x1024x1xi32>
    %swap3A_108 = vector.shape_cast %swap3A_107 : vector<1x1024x1xi32> to vector<1024x1xi32>
    %swap3A_109 = vector.shape_cast %broadcast_in_dim3A_103 : vector<1024x1xi32> to vector<1x1024x1xi32>
    tpu.vector_store %arg3[%swap3A_104, %swap3A_105, %swap3A_106], %swap3A_109 {strides = array<i32>} : memref<1x1024x8xi32, #tpu.memory_space<vmem>>, vector<1x1024x1xi32>,
    return
  }
  func.func @transform_0(%arg0: i32) -> (i32, i32, i32) {
    %c0_i32 = arith.constant 0 : i32
    %c0_i32_0 = arith.constant 0 : i32
    %c0_i32_1 = arith.constant 0 : i32
    return %arg0, %c0_i32, %c0_i32_0 : i32, i32, i32
  }
  func.func @transform_1(%arg0: i32) -> (i32, i32) {
    %c0_i32 = arith.constant 0 : i32
    %c0_i32_0 = arith.constant 0 : i32
    %c0_i32_1 = arith.constant 0 : i32
    return %c0_i32, %c0_i32_0 : i32, i32
  }
  func.func @transform_2(%arg0: i32) -> (i32, i32, i32) {
    %c0_i32 = arith.constant 0 : i32
    %c0_i32_0 = arith.constant 0 : i32
    %c0_i32_1 = arith.constant 0 : i32
    return %arg0, %c0_i32, %c0_i32_0 : i32, i32, i32
  }
}

module attributes {stable_mosaic.version = 14 : i64} {
  func.func @_stage3_body(%arg0: i32, %arg1: memref<1x1024x64xf32, #tpu.memory_space<vmem>>, %arg2: memref<1x1024x8x64xf32, #tpu.memory_space<vmem>>, %arg3: memref<1x1x10xi32, #tpu.memory_space<smem>>, %arg4: memref<1x1024x64xf32, #tpu.memory_space<vmem>>, %arg5: memref<1024x64xf32, #tpu.memory_space<vmem>>) attributes {dimension_semantics = [#tpu.dimension_semantics<arbitrary>], iteration_bounds = array<i64: 8>, scalar_prefetch = 0 : i64, scratch_operands = 1 : i64, tpu.core_type = #tpu.core_type<tc>, window_params = [{transform_indices = @transform_0, window_bounds = array<i64: 1, 1024, 64>}, {transform_indices = @transform_1, window_bounds = array<i64: 1, 1024, 8, 64>}, {transform_indices = @transform_2, window_bounds = array<i64: 1, 1, 10>}, {transform_indices = @transform_3, window_bounds = array<i64: 1, 1024, 64>}]} {
    %get3A = arith.constant 0 : index
    %get3A_0 = arith.constant 0 : index
    %get3A_1 = arith.constant 0 : index
    %get3A_2 = vector.load %arg1[%get3A, %get3A_0, %get3A_1] : memref<1x1024x64xf32, #tpu.memory_space<vmem>>, vector<1x1024x64xf32>
    %get3A_3 = vector.shape_cast %get3A_2 : vector<1x1024x64xf32> to vector<1024x64xf32>
    %get3A_4 = arith.constant 0 : index
    %get3A_5 = arith.constant 0 : index
    %get3A_6 = arith.constant 0 : index
    %get3A_7 = arith.constant 0 : index
    %get3A_8 = vector.load %arg2[%get3A_4, %get3A_5, %get3A_6, %get3A_7] : memref<1x1024x8x64xf32, #tpu.memory_space<vmem>>, vector<1x1024x8x64xf32>
    %get3A_9 = vector.shape_cast %get3A_8 : vector<1x1024x8x64xf32> to vector<1024x8x64xf32>
    %slice3A = vector.extract_strided_slice %get3A_9 {offsets = [0, 0, 0], sizes = [1024, 1, 64], strides = [1, 1, 1]} : vector<1024x8x64xf32> to vector<1024x1x64xf32>
    %squeeze3A = vector.shape_cast %slice3A : vector<1024x1x64xf32> to vector<1024x64xf32>
    %get3A_10 = arith.constant 0 : index
    %get3A_11 = arith.constant 0 : index
    %get3A_12 = arith.constant 0 : index
    %get3A_13 = arith.constant 0 : index
    %get3A_14 = vector.load %arg2[%get3A_10, %get3A_11, %get3A_12, %get3A_13] : memref<1x1024x8x64xf32, #tpu.memory_space<vmem>>, vector<1x1024x8x64xf32>
    %get3A_15 = vector.shape_cast %get3A_14 : vector<1x1024x8x64xf32> to vector<1024x8x64xf32>
    %slice3A_16 = vector.extract_strided_slice %get3A_15 {offsets = [0, 1, 0], sizes = [1024, 1, 64], strides = [1, 1, 1]} : vector<1024x8x64xf32> to vector<1024x1x64xf32>
    %squeeze3A_17 = vector.shape_cast %slice3A_16 : vector<1024x1x64xf32> to vector<1024x64xf32>
    %get3A_18 = arith.constant 0 : index
    %get3A_19 = arith.constant 0 : index
    %get3A_20 = arith.constant 0 : index
    %get3A_21 = arith.constant 0 : index
    %get3A_22 = vector.load %arg2[%get3A_18, %get3A_19, %get3A_20, %get3A_21] : memref<1x1024x8x64xf32, #tpu.memory_space<vmem>>, vector<1x1024x8x64xf32>
    %get3A_23 = vector.shape_cast %get3A_22 : vector<1x1024x8x64xf32> to vector<1024x8x64xf32>
    %slice3A_24 = vector.extract_strided_slice %get3A_23 {offsets = [0, 2, 0], sizes = [1024, 1, 64], strides = [1, 1, 1]} : vector<1024x8x64xf32> to vector<1024x1x64xf32>
    %squeeze3A_25 = vector.shape_cast %slice3A_24 : vector<1024x1x64xf32> to vector<1024x64xf32>
    %get3A_26 = arith.constant 0 : index
    %get3A_27 = arith.constant 0 : index
    %get3A_28 = arith.constant 0 : index
    %get3A_29 = arith.constant 0 : index
    %get3A_30 = vector.load %arg2[%get3A_26, %get3A_27, %get3A_28, %get3A_29] : memref<1x1024x8x64xf32, #tpu.memory_space<vmem>>, vector<1x1024x8x64xf32>
    %get3A_31 = vector.shape_cast %get3A_30 : vector<1x1024x8x64xf32> to vector<1024x8x64xf32>
    %slice3A_32 = vector.extract_strided_slice %get3A_31 {offsets = [0, 3, 0], sizes = [1024, 1, 64], strides = [1, 1, 1]} : vector<1024x8x64xf32> to vector<1024x1x64xf32>
    %squeeze3A_33 = vector.shape_cast %slice3A_32 : vector<1024x1x64xf32> to vector<1024x64xf32>
    %get3A_34 = arith.constant 0 : index
    %get3A_35 = arith.constant 0 : index
    %get3A_36 = arith.constant 0 : index
    %get3A_37 = arith.constant 0 : index
    %get3A_38 = vector.load %arg2[%get3A_34, %get3A_35, %get3A_36, %get3A_37] : memref<1x1024x8x64xf32, #tpu.memory_space<vmem>>, vector<1x1024x8x64xf32>
    %get3A_39 = vector.shape_cast %get3A_38 : vector<1x1024x8x64xf32> to vector<1024x8x64xf32>
    %slice3A_40 = vector.extract_strided_slice %get3A_39 {offsets = [0, 4, 0], sizes = [1024, 1, 64], strides = [1, 1, 1]} : vector<1024x8x64xf32> to vector<1024x1x64xf32>
    %squeeze3A_41 = vector.shape_cast %slice3A_40 : vector<1024x1x64xf32> to vector<1024x64xf32>
    %mul3A = arith.mulf %get3A_3, %squeeze3A : vector<1024x64xf32>
    %reduce_sum3A = arith.constant dense<0.000000e+00> : vector<1024xf32>
    %reduce_sum3A_42 = vector.multi_reduction <add>, %mul3A, %reduce_sum3A [1] : vector<1024x64xf32> to vector<1024xf32>
    %broadcast_in_dim3A = vector.shape_cast %reduce_sum3A_42 : vector<1024xf32> to vector<1024x1xf32>
    %mul3A_43 = arith.mulf %get3A_3, %squeeze3A_17 : vector<1024x64xf32>
    %reduce_sum3A_44 = arith.constant dense<0.000000e+00> : vector<1024xf32>
    %reduce_sum3A_45 = vector.multi_reduction <add>, %mul3A_43, %reduce_sum3A_44 [1] : vector<1024x64xf32> to vector<1024xf32>
    %broadcast_in_dim3A_46 = vector.shape_cast %reduce_sum3A_45 : vector<1024xf32> to vector<1024x1xf32>
    %mul3A_47 = arith.mulf %get3A_3, %squeeze3A_25 : vector<1024x64xf32>
    %reduce_sum3A_48 = arith.constant dense<0.000000e+00> : vector<1024xf32>
    %reduce_sum3A_49 = vector.multi_reduction <add>, %mul3A_47, %reduce_sum3A_48 [1] : vector<1024x64xf32> to vector<1024xf32>
    %broadcast_in_dim3A_50 = vector.shape_cast %reduce_sum3A_49 : vector<1024xf32> to vector<1024x1xf32>
    %mul3A_51 = arith.mulf %get3A_3, %squeeze3A_33 : vector<1024x64xf32>
    %reduce_sum3A_52 = arith.constant dense<0.000000e+00> : vector<1024xf32>
    %reduce_sum3A_53 = vector.multi_reduction <add>, %mul3A_51, %reduce_sum3A_52 [1] : vector<1024x64xf32> to vector<1024xf32>
    %broadcast_in_dim3A_54 = vector.shape_cast %reduce_sum3A_53 : vector<1024xf32> to vector<1024x1xf32>
    %mul3A_55 = arith.mulf %get3A_3, %squeeze3A_41 : vector<1024x64xf32>
    %reduce_sum3A_56 = arith.constant dense<0.000000e+00> : vector<1024xf32>
    %reduce_sum3A_57 = vector.multi_reduction <add>, %mul3A_55, %reduce_sum3A_56 [1] : vector<1024x64xf32> to vector<1024xf32>
    %broadcast_in_dim3A_58 = vector.shape_cast %reduce_sum3A_57 : vector<1024xf32> to vector<1024x1xf32>
    %max3A = arith.maximumf %broadcast_in_dim3A, %broadcast_in_dim3A_46 : vector<1024x1xf32>
    %max3A_59 = arith.maximumf %max3A, %broadcast_in_dim3A_50 : vector<1024x1xf32>
    %max3A_60 = arith.maximumf %max3A_59, %broadcast_in_dim3A_54 : vector<1024x1xf32>
    %max3A_61 = arith.maximumf %max3A_60, %broadcast_in_dim3A_58 : vector<1024x1xf32>
    %sub3A = arith.subf %broadcast_in_dim3A, %max3A_61 : vector<1024x1xf32>
    %exp3A = math.exp %sub3A : vector<1024x1xf32>
    %sub3A_62 = arith.subf %broadcast_in_dim3A_46, %max3A_61 : vector<1024x1xf32>
    %exp3A_63 = math.exp %sub3A_62 : vector<1024x1xf32>
    %sub3A_64 = arith.subf %broadcast_in_dim3A_50, %max3A_61 : vector<1024x1xf32>
    %exp3A_65 = math.exp %sub3A_64 : vector<1024x1xf32>
    %sub3A_66 = arith.subf %broadcast_in_dim3A_54, %max3A_61 : vector<1024x1xf32>
    %exp3A_67 = math.exp %sub3A_66 : vector<1024x1xf32>
    %sub3A_68 = arith.subf %broadcast_in_dim3A_58, %max3A_61 : vector<1024x1xf32>
    %exp3A_69 = math.exp %sub3A_68 : vector<1024x1xf32>
    %add3A = arith.addf %exp3A, %exp3A_63 : vector<1024x1xf32>
    %add3A_70 = arith.addf %add3A, %exp3A_65 : vector<1024x1xf32>
    %add3A_71 = arith.addf %add3A_70, %exp3A_67 : vector<1024x1xf32>
    %add3A_72 = arith.addf %add3A_71, %exp3A_69 : vector<1024x1xf32>
    %div3A = arith.divf %exp3A, %add3A_72 : vector<1024x1xf32>
    %mul3A_73 = vector.broadcast %div3A : vector<1024x1xf32> to vector<1024x64xf32>
    %mul3A_74 = arith.mulf %mul3A_73, %squeeze3A : vector<1024x64xf32>
    %div3A_75 = arith.divf %exp3A_63, %add3A_72 : vector<1024x1xf32>
    %mul3A_76 = vector.broadcast %div3A_75 : vector<1024x1xf32> to vector<1024x64xf32>
    %mul3A_77 = arith.mulf %mul3A_76, %squeeze3A_17 : vector<1024x64xf32>
    %add3A_78 = arith.addf %mul3A_74, %mul3A_77 : vector<1024x64xf32>
    %div3A_79 = arith.divf %exp3A_65, %add3A_72 : vector<1024x1xf32>
    %mul3A_80 = vector.broadcast %div3A_79 : vector<1024x1xf32> to vector<1024x64xf32>
    %mul3A_81 = arith.mulf %mul3A_80, %squeeze3A_25 : vector<1024x64xf32>
    %add3A_82 = arith.addf %add3A_78, %mul3A_81 : vector<1024x64xf32>
    %div3A_83 = arith.divf %exp3A_67, %add3A_72 : vector<1024x1xf32>
    %mul3A_84 = vector.broadcast %div3A_83 : vector<1024x1xf32> to vector<1024x64xf32>
    %mul3A_85 = arith.mulf %mul3A_84, %squeeze3A_33 : vector<1024x64xf32>
    %add3A_86 = arith.addf %add3A_82, %mul3A_85 : vector<1024x64xf32>
    %div3A_87 = arith.divf %exp3A_69, %add3A_72 : vector<1024x1xf32>
    %mul3A_88 = vector.broadcast %div3A_87 : vector<1024x1xf32> to vector<1024x64xf32>
    %mul3A_89 = arith.mulf %mul3A_88, %squeeze3A_41 : vector<1024x64xf32>
    %add3A_90 = arith.addf %add3A_86, %mul3A_89 : vector<1024x64xf32>
    %add3A_91 = arith.addf %get3A_3, %add3A_90 : vector<1024x64xf32>
    %swap3A = arith.constant 0 : index
    %swap3A_92 = arith.constant 0 : index
    %swap3A_93 = vector.load %arg5[%swap3A, %swap3A_92] : memref<1024x64xf32, #tpu.memory_space<vmem>>, vector<1024x64xf32>
    tpu.vector_store %arg5[%swap3A, %swap3A_92], %add3A_91 {strides = array<i32>} : memref<1024x64xf32, #tpu.memory_space<vmem>>, vector<1024x64xf32>,
    %get3A_94 = arith.constant 0 : index
    %get3A_95 = arith.constant 0 : index
    %get3A_96 = arith.constant 0 : index
    %get3A_97 = memref.load %arg3[%get3A_94, %get3A_95, %get3A_96] : memref<1x1x10xi32, #tpu.memory_space<smem>>
    %get3A_98 = arith.index_cast %get3A_97 : i32 to index
    %get3A_99 = arith.constant 0 : index
    %get3A_100 = vector.load %arg5[%get3A_98, %get3A_99] : memref<1024x64xf32, #tpu.memory_space<vmem>>, vector<1x64xf32>
    %get3A_101 = arith.constant 0 : index
    %get3A_102 = arith.constant 0 : index
    %get3A_103 = arith.constant 1 : index
    %get3A_104 = memref.load %arg3[%get3A_101, %get3A_102, %get3A_103] : memref<1x1x10xi32, #tpu.memory_space<smem>>
    %get3A_105 = arith.index_cast %get3A_104 : i32 to index
    %get3A_106 = arith.constant 0 : index
    %get3A_107 = vector.load %arg5[%get3A_105, %get3A_106] : memref<1024x64xf32, #tpu.memory_space<vmem>>, vector<1x64xf32>
    %get3A_108 = arith.constant 0 : index
    %get3A_109 = arith.constant 0 : index
    %get3A_110 = arith.constant 2 : index
    %get3A_111 = memref.load %arg3[%get3A_108, %get3A_109, %get3A_110] : memref<1x1x10xi32, #tpu.memory_space<smem>>
    %get3A_112 = arith.index_cast %get3A_111 : i32 to index
    %get3A_113 = arith.constant 0 : index
    %get3A_114 = vector.load %arg5[%get3A_112, %get3A_113] : memref<1024x64xf32, #tpu.memory_space<vmem>>, vector<1x64xf32>
    %get3A_115 = arith.constant 0 : index
    %get3A_116 = arith.constant 0 : index
    %get3A_117 = arith.constant 3 : index
    %get3A_118 = memref.load %arg3[%get3A_115, %get3A_116, %get3A_117] : memref<1x1x10xi32, #tpu.memory_space<smem>>
    %get3A_119 = arith.index_cast %get3A_118 : i32 to index
    %get3A_120 = arith.constant 0 : index
    %get3A_121 = vector.load %arg5[%get3A_119, %get3A_120] : memref<1024x64xf32, #tpu.memory_space<vmem>>, vector<1x64xf32>
    %get3A_122 = arith.constant 0 : index
    %get3A_123 = arith.constant 0 : index
    %get3A_124 = arith.constant 4 : index
    %get3A_125 = memref.load %arg3[%get3A_122, %get3A_123, %get3A_124] : memref<1x1x10xi32, #tpu.memory_space<smem>>
    %get3A_126 = arith.index_cast %get3A_125 : i32 to index
    %get3A_127 = arith.constant 0 : index
    %get3A_128 = vector.load %arg5[%get3A_126, %get3A_127] : memref<1024x64xf32, #tpu.memory_space<vmem>>, vector<1x64xf32>
    %get3A_129 = arith.constant 0 : index
    %get3A_130 = arith.constant 0 : index
    %get3A_131 = arith.constant 5 : index
    %get3A_132 = memref.load %arg3[%get3A_129, %get3A_130, %get3A_131] : memref<1x1x10xi32, #tpu.memory_space<smem>>
    %get3A_133 = arith.index_cast %get3A_132 : i32 to index
    %get3A_134 = arith.constant 0 : index
    %get3A_135 = vector.load %arg5[%get3A_133, %get3A_134] : memref<1024x64xf32, #tpu.memory_space<vmem>>, vector<1x64xf32>
    %get3A_136 = arith.constant 0 : index
    %get3A_137 = arith.constant 0 : index
    %get3A_138 = arith.constant 6 : index
    %get3A_139 = memref.load %arg3[%get3A_136, %get3A_137, %get3A_138] : memref<1x1x10xi32, #tpu.memory_space<smem>>
    %get3A_140 = arith.index_cast %get3A_139 : i32 to index
    %get3A_141 = arith.constant 0 : index
    %get3A_142 = vector.load %arg5[%get3A_140, %get3A_141] : memref<1024x64xf32, #tpu.memory_space<vmem>>, vector<1x64xf32>
    %get3A_143 = arith.constant 0 : index
    %get3A_144 = arith.constant 0 : index
    %get3A_145 = arith.constant 7 : index
    %get3A_146 = memref.load %arg3[%get3A_143, %get3A_144, %get3A_145] : memref<1x1x10xi32, #tpu.memory_space<smem>>
    %get3A_147 = arith.index_cast %get3A_146 : i32 to index
    %get3A_148 = arith.constant 0 : index
    %get3A_149 = vector.load %arg5[%get3A_147, %get3A_148] : memref<1024x64xf32, #tpu.memory_space<vmem>>, vector<1x64xf32>
    %get3A_150 = arith.constant 0 : index
    %get3A_151 = arith.constant 0 : index
    %get3A_152 = arith.constant 8 : index
    %get3A_153 = memref.load %arg3[%get3A_150, %get3A_151, %get3A_152] : memref<1x1x10xi32, #tpu.memory_space<smem>>
    %get3A_154 = arith.index_cast %get3A_153 : i32 to index
    %get3A_155 = arith.constant 0 : index
    %get3A_156 = vector.load %arg5[%get3A_154, %get3A_155] : memref<1024x64xf32, #tpu.memory_space<vmem>>, vector<1x64xf32>
    %get3A_157 = arith.constant 0 : index
    %get3A_158 = arith.constant 0 : index
    %get3A_159 = arith.constant 9 : index
    %get3A_160 = memref.load %arg3[%get3A_157, %get3A_158, %get3A_159] : memref<1x1x10xi32, #tpu.memory_space<smem>>
    %get3A_161 = arith.index_cast %get3A_160 : i32 to index
    %get3A_162 = arith.constant 0 : index
    %get3A_163 = vector.load %arg5[%get3A_161, %get3A_162] : memref<1024x64xf32, #tpu.memory_space<vmem>>, vector<1x64xf32>
    %broadcast_in_dim3A_164 = arith.constant 0.000000e+00 : f32
    %broadcast_in_dim3A_165 = vector.broadcast %broadcast_in_dim3A_164 : f32 to vector<1x64xf32>
    %broadcast_in_dim3A_166 = arith.constant 0.000000e+00 : f32
    %broadcast_in_dim3A_167 = vector.broadcast %broadcast_in_dim3A_166 : f32 to vector<1x64xf32>
    %broadcast_in_dim3A_168 = arith.constant 0.000000e+00 : f32
    %broadcast_in_dim3A_169 = vector.broadcast %broadcast_in_dim3A_168 : f32 to vector<1x64xf32>
    %broadcast_in_dim3A_170 = arith.constant 0.000000e+00 : f32
    %broadcast_in_dim3A_171 = vector.broadcast %broadcast_in_dim3A_170 : f32 to vector<1x64xf32>
    %broadcast_in_dim3A_172 = arith.constant 0.000000e+00 : f32
    %broadcast_in_dim3A_173 = vector.broadcast %broadcast_in_dim3A_172 : f32 to vector<1x64xf32>
    %broadcast_in_dim3A_174 = arith.constant 0.000000e+00 : f32
    %broadcast_in_dim3A_175 = vector.broadcast %broadcast_in_dim3A_174 : f32 to vector<1x64xf32>
    %concatenate3A = tpu.concatenate %get3A_100, %get3A_107, %get3A_114, %get3A_121, %get3A_128, %get3A_135, %get3A_142, %get3A_149, %get3A_156, %get3A_163, %broadcast_in_dim3A_165, %broadcast_in_dim3A_167, %broadcast_in_dim3A_169, %broadcast_in_dim3A_171, %broadcast_in_dim3A_173, %broadcast_in_dim3A_175 in 0 : vector<1x64xf32>, vector<1x64xf32>, vector<1x64xf32>, vector<1x64xf32>, vector<1x64xf32>, vector<1x64xf32>, vector<1x64xf32>, vector<1x64xf32>, vector<1x64xf32>, vector<1x64xf32>, vector<1x64xf32>, vector<1x64xf32>, vector<1x64xf32>, vector<1x64xf32>, vector<1x64xf32>, vector<1x64xf32> -> vector<16x64xf32>
    %mul3A_176 = arith.mulf %add3A_91, %add3A_91 : vector<1024x64xf32>
    %reduce_sum3A_177 = arith.constant dense<0.000000e+00> : vector<1024xf32>
    %reduce_sum3A_178 = vector.multi_reduction <add>, %mul3A_176, %reduce_sum3A_177 [1] : vector<1024x64xf32> to vector<1024xf32>
    %broadcast_in_dim3A_179 = vector.shape_cast %reduce_sum3A_178 : vector<1024xf32> to vector<1024x1xf32>
    %iota3A = tpu.iota {dimensions = array<i32: 1>} : vector<1024x16xi32>
    %lt3A = arith.constant 10 : i32
    %lt3A_180 = vector.broadcast %lt3A : i32 to vector<1024x16xi32>
    %lt3A_181 = arith.cmpi slt, %iota3A, %lt3A_180 : vector<1024x16xi32>
    %convert_element_type3A = arith.truncf %add3A_91 : vector<1024x64xf32> to vector<1024x64xbf16>
    %convert_element_type3A_182 = arith.truncf %concatenate3A : vector<16x64xf32> to vector<16x64xbf16>
    %dot_general3A = arith.constant dense<0.000000e+00> : vector<1024x16xf32>
    %dot_general3A_183 = tpu.matmul %convert_element_type3A, %convert_element_type3A_182, %dot_general3A {dimension_numbers = #tpu.dot_dimension_numbers<[1], [1], [0], [0], [0, 0, 1, 0], [], []>, transpose_lhs_hint = false} : vector<1024x64xbf16>, vector<16x64xbf16>, vector<1024x16xf32> -> vector<1024x16xf32>
    %mul3A_184 = arith.mulf %concatenate3A, %concatenate3A : vector<16x64xf32>
    %reduce_sum3A_185 = arith.constant dense<0.000000e+00> : vector<16xf32>
    %reduce_sum3A_186 = vector.multi_reduction <add>, %mul3A_184, %reduce_sum3A_185 [1] : vector<16x64xf32> to vector<16xf32>
    %mul3A_187 = arith.constant 2.000000e+00 : f32
    %mul3A_188 = vector.broadcast %mul3A_187 : f32 to vector<1024x16xf32>
    %mul3A_189 = arith.mulf %mul3A_188, %dot_general3A_183 : vector<1024x16xf32>
    %sub3A_190 = vector.broadcast %broadcast_in_dim3A_179 : vector<1024x1xf32> to vector<1024x16xf32>
    %sub3A_191 = arith.subf %sub3A_190, %mul3A_189 : vector<1024x16xf32>
    %broadcast_in_dim3A_192 = vector.shape_cast %reduce_sum3A_186 : vector<16xf32> to vector<1x16xf32>
    %add3A_193 = vector.broadcast %broadcast_in_dim3A_192 : vector<1x16xf32> to vector<1024x16xf32>
    %add3A_194 = arith.addf %sub3A_191, %add3A_193 : vector<1024x16xf32>
    %jit3A = arith.constant 0x7F800000 : f32
    %broadcast_in_dim3A_195 = vector.broadcast %jit3A : f32 to vector<1024x16xf32>
    %select_n3A = arith.select %lt3A_181, %add3A_194, %broadcast_in_dim3A_195 : vector<1024x16xi1>, vector<1024x16xf32>
    %reduce_min3A = arith.constant dense<0x7F800000> : vector<1024xf32>
    %reduce_min3A_196 = vector.multi_reduction <minimumf>, %select_n3A, %reduce_min3A [1] : vector<1024x16xf32> to vector<1024xf32>
    %broadcast_in_dim3A_197 = vector.shape_cast %reduce_min3A_196 : vector<1024xf32> to vector<1024x1xf32>
    %eq3A = vector.broadcast %broadcast_in_dim3A_197 : vector<1024x1xf32> to vector<1024x16xf32>
    %eq3A_198 = arith.cmpf oeq, %select_n3A, %eq3A : vector<1024x16xf32>
    %jit3A_199 = arith.constant 16 : i32
    %broadcast_in_dim3A_200 = vector.broadcast %jit3A_199 : i32 to vector<1024x16xi32>
    %select_n3A_201 = arith.select %eq3A_198, %iota3A, %broadcast_in_dim3A_200 : vector<1024x16xi1>, vector<1024x16xi32>
    %reduce_min3A_202 = arith.constant dense<2147483647> : vector<1024xi32>
    %reduce_min3A_203 = vector.multi_reduction <minsi>, %select_n3A_201, %reduce_min3A_202 [1] : vector<1024x16xi32> to vector<1024xi32>
    %broadcast_in_dim3A_204 = vector.shape_cast %reduce_min3A_203 : vector<1024xi32> to vector<1024x1xi32>
    %eq3A_205 = vector.broadcast %broadcast_in_dim3A_204 : vector<1024x1xi32> to vector<1024x16xi32>
    %eq3A_206 = arith.cmpi eq, %iota3A, %eq3A_205 : vector<1024x16xi32>
    %convert_element_type3A_207 = arith.extui %eq3A_206 : vector<1024x16xi1> to vector<1024x16xi32>
    %convert_element_type3A_208 = arith.sitofp %convert_element_type3A_207 : vector<1024x16xi32> to vector<1024x16xf32>
    %dot_general3A_209 = arith.constant dense<0.000000e+00> : vector<16x64xf32>
    %dot_general3A_210 = tpu.matmul %convert_element_type3A_208, %add3A_91, %dot_general3A_209 {dimension_numbers = #tpu.dot_dimension_numbers<[0], [0], [1], [1], [0, 1, 1, 1], [], []>, precision = #tpu.contract_precision<fp32>, transpose_lhs_hint = false} : vector<1024x16xf32>, vector<1024x64xf32>, vector<16x64xf32> -> vector<16x64xf32>
    %reduce_sum3A_211 = arith.constant dense<0.000000e+00> : vector<16xf32>
    %reduce_sum3A_212 = vector.multi_reduction <add>, %convert_element_type3A_208, %reduce_sum3A_211 [0] : vector<1024x16xf32> to vector<16xf32>
    %broadcast_in_dim3A_213 = vector.shape_cast %reduce_sum3A_212 : vector<16xf32> to vector<16x1xf32>
    %add3A_214 = arith.constant 9.99999993E-9 : f32
    %add3A_215 = vector.broadcast %add3A_214 : f32 to vector<16x1xf32>
    %add3A_216 = arith.addf %broadcast_in_dim3A_213, %add3A_215 : vector<16x1xf32>
    %div3A_217 = vector.broadcast %add3A_216 : vector<16x1xf32> to vector<16x64xf32>
    %div3A_218 = arith.divf %dot_general3A_210, %div3A_217 : vector<16x64xf32>
    %convert_element_type3A_219 = arith.truncf %div3A_218 : vector<16x64xf32> to vector<16x64xbf16>
    %dot_general3A_220 = arith.constant dense<0.000000e+00> : vector<1024x16xf32>
    %dot_general3A_221 = tpu.matmul %convert_element_type3A, %convert_element_type3A_219, %dot_general3A_220 {dimension_numbers = #tpu.dot_dimension_numbers<[1], [1], [0], [0], [0, 0, 1, 0], [], []>, transpose_lhs_hint = false} : vector<1024x64xbf16>, vector<16x64xbf16>, vector<1024x16xf32> -> vector<1024x16xf32>
    %mul3A_222 = arith.mulf %div3A_218, %div3A_218 : vector<16x64xf32>
    %reduce_sum3A_223 = arith.constant dense<0.000000e+00> : vector<16xf32>
    %reduce_sum3A_224 = vector.multi_reduction <add>, %mul3A_222, %reduce_sum3A_223 [1] : vector<16x64xf32> to vector<16xf32>
    %mul3A_225 = arith.constant 2.000000e+00 : f32
    %mul3A_226 = vector.broadcast %mul3A_225 : f32 to vector<1024x16xf32>
    %mul3A_227 = arith.mulf %mul3A_226, %dot_general3A_221 : vector<1024x16xf32>
    %sub3A_228 = vector.broadcast %broadcast_in_dim3A_179 : vector<1024x1xf32> to vector<1024x16xf32>
    %sub3A_229 = arith.subf %sub3A_228, %mul3A_227 : vector<1024x16xf32>
    %broadcast_in_dim3A_230 = vector.shape_cast %reduce_sum3A_224 : vector<16xf32> to vector<1x16xf32>
    %add3A_231 = vector.broadcast %broadcast_in_dim3A_230 : vector<1x16xf32> to vector<1024x16xf32>
    %add3A_232 = arith.addf %sub3A_229, %add3A_231 : vector<1024x16xf32>
    %jit3A_233 = arith.constant 0x7F800000 : f32
    %broadcast_in_dim3A_234 = vector.broadcast %jit3A_233 : f32 to vector<1024x16xf32>
    %select_n3A_235 = arith.select %lt3A_181, %add3A_232, %broadcast_in_dim3A_234 : vector<1024x16xi1>, vector<1024x16xf32>
    %reduce_min3A_236 = arith.constant dense<0x7F800000> : vector<1024xf32>
    %reduce_min3A_237 = vector.multi_reduction <minimumf>, %select_n3A_235, %reduce_min3A_236 [1] : vector<1024x16xf32> to vector<1024xf32>
    %broadcast_in_dim3A_238 = vector.shape_cast %reduce_min3A_237 : vector<1024xf32> to vector<1024x1xf32>
    %eq3A_239 = vector.broadcast %broadcast_in_dim3A_238 : vector<1024x1xf32> to vector<1024x16xf32>
    %eq3A_240 = arith.cmpf oeq, %select_n3A_235, %eq3A_239 : vector<1024x16xf32>
    %jit3A_241 = arith.constant 16 : i32
    %broadcast_in_dim3A_242 = vector.broadcast %jit3A_241 : i32 to vector<1024x16xi32>
    %select_n3A_243 = arith.select %eq3A_240, %iota3A, %broadcast_in_dim3A_242 : vector<1024x16xi1>, vector<1024x16xi32>
    %reduce_min3A_244 = arith.constant dense<2147483647> : vector<1024xi32>
    %reduce_min3A_245 = vector.multi_reduction <minsi>, %select_n3A_243, %reduce_min3A_244 [1] : vector<1024x16xi32> to vector<1024xi32>
    %broadcast_in_dim3A_246 = vector.shape_cast %reduce_min3A_245 : vector<1024xi32> to vector<1024x1xi32>
    %eq3A_247 = vector.broadcast %broadcast_in_dim3A_246 : vector<1024x1xi32> to vector<1024x16xi32>
    %eq3A_248 = arith.cmpi eq, %iota3A, %eq3A_247 : vector<1024x16xi32>
    %convert_element_type3A_249 = arith.extui %eq3A_248 : vector<1024x16xi1> to vector<1024x16xi32>
    %convert_element_type3A_250 = arith.sitofp %convert_element_type3A_249 : vector<1024x16xi32> to vector<1024x16xf32>
    %dot_general3A_251 = arith.constant dense<0.000000e+00> : vector<16x64xf32>
    %dot_general3A_252 = tpu.matmul %convert_element_type3A_250, %add3A_91, %dot_general3A_251 {dimension_numbers = #tpu.dot_dimension_numbers<[0], [0], [1], [1], [0, 1, 1, 1], [], []>, precision = #tpu.contract_precision<fp32>, transpose_lhs_hint = false} : vector<1024x16xf32>, vector<1024x64xf32>, vector<16x64xf32> -> vector<16x64xf32>
    %reduce_sum3A_253 = arith.constant dense<0.000000e+00> : vector<16xf32>
    %reduce_sum3A_254 = vector.multi_reduction <add>, %convert_element_type3A_250, %reduce_sum3A_253 [0] : vector<1024x16xf32> to vector<16xf32>
    %broadcast_in_dim3A_255 = vector.shape_cast %reduce_sum3A_254 : vector<16xf32> to vector<16x1xf32>
    %add3A_256 = arith.constant 9.99999993E-9 : f32
    %add3A_257 = vector.broadcast %add3A_256 : f32 to vector<16x1xf32>
    %add3A_258 = arith.addf %broadcast_in_dim3A_255, %add3A_257 : vector<16x1xf32>
    %div3A_259 = vector.broadcast %add3A_258 : vector<16x1xf32> to vector<16x64xf32>
    %div3A_260 = arith.divf %dot_general3A_252, %div3A_259 : vector<16x64xf32>
    %convert_element_type3A_261 = arith.truncf %div3A_260 : vector<16x64xf32> to vector<16x64xbf16>
    %dot_general3A_262 = arith.constant dense<0.000000e+00> : vector<1024x16xf32>
    %dot_general3A_263 = tpu.matmul %convert_element_type3A, %convert_element_type3A_261, %dot_general3A_262 {dimension_numbers = #tpu.dot_dimension_numbers<[1], [1], [0], [0], [0, 0, 1, 0], [], []>, transpose_lhs_hint = false} : vector<1024x64xbf16>, vector<16x64xbf16>, vector<1024x16xf32> -> vector<1024x16xf32>
    %mul3A_264 = arith.mulf %div3A_260, %div3A_260 : vector<16x64xf32>
    %reduce_sum3A_265 = arith.constant dense<0.000000e+00> : vector<16xf32>
    %reduce_sum3A_266 = vector.multi_reduction <add>, %mul3A_264, %reduce_sum3A_265 [1] : vector<16x64xf32> to vector<16xf32>
    %mul3A_267 = arith.constant 2.000000e+00 : f32
    %mul3A_268 = vector.broadcast %mul3A_267 : f32 to vector<1024x16xf32>
    %mul3A_269 = arith.mulf %mul3A_268, %dot_general3A_263 : vector<1024x16xf32>
    %sub3A_270 = vector.broadcast %broadcast_in_dim3A_179 : vector<1024x1xf32> to vector<1024x16xf32>
    %sub3A_271 = arith.subf %sub3A_270, %mul3A_269 : vector<1024x16xf32>
    %broadcast_in_dim3A_272 = vector.shape_cast %reduce_sum3A_266 : vector<16xf32> to vector<1x16xf32>
    %add3A_273 = vector.broadcast %broadcast_in_dim3A_272 : vector<1x16xf32> to vector<1024x16xf32>
    %add3A_274 = arith.addf %sub3A_271, %add3A_273 : vector<1024x16xf32>
    %jit3A_275 = arith.constant 0x7F800000 : f32
    %broadcast_in_dim3A_276 = vector.broadcast %jit3A_275 : f32 to vector<1024x16xf32>
    %select_n3A_277 = arith.select %lt3A_181, %add3A_274, %broadcast_in_dim3A_276 : vector<1024x16xi1>, vector<1024x16xf32>
    %reduce_min3A_278 = arith.constant dense<0x7F800000> : vector<1024xf32>
    %reduce_min3A_279 = vector.multi_reduction <minimumf>, %select_n3A_277, %reduce_min3A_278 [1] : vector<1024x16xf32> to vector<1024xf32>
    %broadcast_in_dim3A_280 = vector.shape_cast %reduce_min3A_279 : vector<1024xf32> to vector<1024x1xf32>
    %eq3A_281 = vector.broadcast %broadcast_in_dim3A_280 : vector<1024x1xf32> to vector<1024x16xf32>
    %eq3A_282 = arith.cmpf oeq, %select_n3A_277, %eq3A_281 : vector<1024x16xf32>
    %jit3A_283 = arith.constant 16 : i32
    %broadcast_in_dim3A_284 = vector.broadcast %jit3A_283 : i32 to vector<1024x16xi32>
    %select_n3A_285 = arith.select %eq3A_282, %iota3A, %broadcast_in_dim3A_284 : vector<1024x16xi1>, vector<1024x16xi32>
    %reduce_min3A_286 = arith.constant dense<2147483647> : vector<1024xi32>
    %reduce_min3A_287 = vector.multi_reduction <minsi>, %select_n3A_285, %reduce_min3A_286 [1] : vector<1024x16xi32> to vector<1024xi32>
    %broadcast_in_dim3A_288 = vector.shape_cast %reduce_min3A_287 : vector<1024xi32> to vector<1024x1xi32>
    %eq3A_289 = vector.broadcast %broadcast_in_dim3A_288 : vector<1024x1xi32> to vector<1024x16xi32>
    %eq3A_290 = arith.cmpi eq, %iota3A, %eq3A_289 : vector<1024x16xi32>
    %convert_element_type3A_291 = arith.extui %eq3A_290 : vector<1024x16xi1> to vector<1024x16xi32>
    %convert_element_type3A_292 = arith.sitofp %convert_element_type3A_291 : vector<1024x16xi32> to vector<1024x16xf32>
    %dot_general3A_293 = arith.constant dense<0.000000e+00> : vector<16x64xf32>
    %dot_general3A_294 = tpu.matmul %convert_element_type3A_292, %add3A_91, %dot_general3A_293 {dimension_numbers = #tpu.dot_dimension_numbers<[0], [0], [1], [1], [0, 1, 1, 1], [], []>, precision = #tpu.contract_precision<fp32>, transpose_lhs_hint = false} : vector<1024x16xf32>, vector<1024x64xf32>, vector<16x64xf32> -> vector<16x64xf32>
    %reduce_sum3A_295 = arith.constant dense<0.000000e+00> : vector<16xf32>
    %reduce_sum3A_296 = vector.multi_reduction <add>, %convert_element_type3A_292, %reduce_sum3A_295 [0] : vector<1024x16xf32> to vector<16xf32>
    %broadcast_in_dim3A_297 = vector.shape_cast %reduce_sum3A_296 : vector<16xf32> to vector<16x1xf32>
    %add3A_298 = arith.constant 9.99999993E-9 : f32
    %add3A_299 = vector.broadcast %add3A_298 : f32 to vector<16x1xf32>
    %add3A_300 = arith.addf %broadcast_in_dim3A_297, %add3A_299 : vector<16x1xf32>
    %div3A_301 = vector.broadcast %add3A_300 : vector<16x1xf32> to vector<16x64xf32>
    %div3A_302 = arith.divf %dot_general3A_294, %div3A_301 : vector<16x64xf32>
    %convert_element_type3A_303 = arith.truncf %div3A_302 : vector<16x64xf32> to vector<16x64xbf16>
    %dot_general3A_304 = arith.constant dense<0.000000e+00> : vector<1024x16xf32>
    %dot_general3A_305 = tpu.matmul %convert_element_type3A, %convert_element_type3A_303, %dot_general3A_304 {dimension_numbers = #tpu.dot_dimension_numbers<[1], [1], [0], [0], [0, 0, 1, 0], [], []>, transpose_lhs_hint = false} : vector<1024x64xbf16>, vector<16x64xbf16>, vector<1024x16xf32> -> vector<1024x16xf32>
    %mul3A_306 = arith.mulf %div3A_302, %div3A_302 : vector<16x64xf32>
    %reduce_sum3A_307 = arith.constant dense<0.000000e+00> : vector<16xf32>
    %reduce_sum3A_308 = vector.multi_reduction <add>, %mul3A_306, %reduce_sum3A_307 [1] : vector<16x64xf32> to vector<16xf32>
    %mul3A_309 = arith.constant 2.000000e+00 : f32
    %mul3A_310 = vector.broadcast %mul3A_309 : f32 to vector<1024x16xf32>
    %mul3A_311 = arith.mulf %mul3A_310, %dot_general3A_305 : vector<1024x16xf32>
    %sub3A_312 = vector.broadcast %broadcast_in_dim3A_179 : vector<1024x1xf32> to vector<1024x16xf32>
    %sub3A_313 = arith.subf %sub3A_312, %mul3A_311 : vector<1024x16xf32>
    %broadcast_in_dim3A_314 = vector.shape_cast %reduce_sum3A_308 : vector<16xf32> to vector<1x16xf32>
    %add3A_315 = vector.broadcast %broadcast_in_dim3A_314 : vector<1x16xf32> to vector<1024x16xf32>
    %add3A_316 = arith.addf %sub3A_313, %add3A_315 : vector<1024x16xf32>
    %jit3A_317 = arith.constant 0x7F800000 : f32
    %broadcast_in_dim3A_318 = vector.broadcast %jit3A_317 : f32 to vector<1024x16xf32>
    %select_n3A_319 = arith.select %lt3A_181, %add3A_316, %broadcast_in_dim3A_318 : vector<1024x16xi1>, vector<1024x16xf32>
    %reduce_min3A_320 = arith.constant dense<0x7F800000> : vector<1024xf32>
    %reduce_min3A_321 = vector.multi_reduction <minimumf>, %select_n3A_319, %reduce_min3A_320 [1] : vector<1024x16xf32> to vector<1024xf32>
    %broadcast_in_dim3A_322 = vector.shape_cast %reduce_min3A_321 : vector<1024xf32> to vector<1024x1xf32>
    %eq3A_323 = vector.broadcast %broadcast_in_dim3A_322 : vector<1024x1xf32> to vector<1024x16xf32>
    %eq3A_324 = arith.cmpf oeq, %select_n3A_319, %eq3A_323 : vector<1024x16xf32>
    %jit3A_325 = arith.constant 16 : i32
    %broadcast_in_dim3A_326 = vector.broadcast %jit3A_325 : i32 to vector<1024x16xi32>
    %select_n3A_327 = arith.select %eq3A_324, %iota3A, %broadcast_in_dim3A_326 : vector<1024x16xi1>, vector<1024x16xi32>
    %reduce_min3A_328 = arith.constant dense<2147483647> : vector<1024xi32>
    %reduce_min3A_329 = vector.multi_reduction <minsi>, %select_n3A_327, %reduce_min3A_328 [1] : vector<1024x16xi32> to vector<1024xi32>
    %broadcast_in_dim3A_330 = vector.shape_cast %reduce_min3A_329 : vector<1024xi32> to vector<1024x1xi32>
    %eq3A_331 = vector.broadcast %broadcast_in_dim3A_330 : vector<1024x1xi32> to vector<1024x16xi32>
    %eq3A_332 = arith.cmpi eq, %iota3A, %eq3A_331 : vector<1024x16xi32>
    %convert_element_type3A_333 = arith.extui %eq3A_332 : vector<1024x16xi1> to vector<1024x16xi32>
    %convert_element_type3A_334 = arith.sitofp %convert_element_type3A_333 : vector<1024x16xi32> to vector<1024x16xf32>
    %dot_general3A_335 = arith.constant dense<0.000000e+00> : vector<16x64xf32>
    %dot_general3A_336 = tpu.matmul %convert_element_type3A_334, %add3A_91, %dot_general3A_335 {dimension_numbers = #tpu.dot_dimension_numbers<[0], [0], [1], [1], [0, 1, 1, 1], [], []>, precision = #tpu.contract_precision<fp32>, transpose_lhs_hint = false} : vector<1024x16xf32>, vector<1024x64xf32>, vector<16x64xf32> -> vector<16x64xf32>
    %reduce_sum3A_337 = arith.constant dense<0.000000e+00> : vector<16xf32>
    %reduce_sum3A_338 = vector.multi_reduction <add>, %convert_element_type3A_334, %reduce_sum3A_337 [0] : vector<1024x16xf32> to vector<16xf32>
    %broadcast_in_dim3A_339 = vector.shape_cast %reduce_sum3A_338 : vector<16xf32> to vector<16x1xf32>
    %add3A_340 = arith.constant 9.99999993E-9 : f32
    %add3A_341 = vector.broadcast %add3A_340 : f32 to vector<16x1xf32>
    %add3A_342 = arith.addf %broadcast_in_dim3A_339, %add3A_341 : vector<16x1xf32>
    %div3A_343 = vector.broadcast %add3A_342 : vector<16x1xf32> to vector<16x64xf32>
    %div3A_344 = arith.divf %dot_general3A_336, %div3A_343 : vector<16x64xf32>
    %convert_element_type3A_345 = arith.truncf %div3A_344 : vector<16x64xf32> to vector<16x64xbf16>
    %dot_general3A_346 = arith.constant dense<0.000000e+00> : vector<1024x16xf32>
    %dot_general3A_347 = tpu.matmul %convert_element_type3A, %convert_element_type3A_345, %dot_general3A_346 {dimension_numbers = #tpu.dot_dimension_numbers<[1], [1], [0], [0], [0, 0, 1, 0], [], []>, transpose_lhs_hint = false} : vector<1024x64xbf16>, vector<16x64xbf16>, vector<1024x16xf32> -> vector<1024x16xf32>
    %mul3A_348 = arith.mulf %div3A_344, %div3A_344 : vector<16x64xf32>
    %reduce_sum3A_349 = arith.constant dense<0.000000e+00> : vector<16xf32>
    %reduce_sum3A_350 = vector.multi_reduction <add>, %mul3A_348, %reduce_sum3A_349 [1] : vector<16x64xf32> to vector<16xf32>
    %mul3A_351 = arith.constant 2.000000e+00 : f32
    %mul3A_352 = vector.broadcast %mul3A_351 : f32 to vector<1024x16xf32>
    %mul3A_353 = arith.mulf %mul3A_352, %dot_general3A_347 : vector<1024x16xf32>
    %sub3A_354 = vector.broadcast %broadcast_in_dim3A_179 : vector<1024x1xf32> to vector<1024x16xf32>
    %sub3A_355 = arith.subf %sub3A_354, %mul3A_353 : vector<1024x16xf32>
    %broadcast_in_dim3A_356 = vector.shape_cast %reduce_sum3A_350 : vector<16xf32> to vector<1x16xf32>
    %add3A_357 = vector.broadcast %broadcast_in_dim3A_356 : vector<1x16xf32> to vector<1024x16xf32>
    %add3A_358 = arith.addf %sub3A_355, %add3A_357 : vector<1024x16xf32>
    %jit3A_359 = arith.constant 0x7F800000 : f32
    %broadcast_in_dim3A_360 = vector.broadcast %jit3A_359 : f32 to vector<1024x16xf32>
    %select_n3A_361 = arith.select %lt3A_181, %add3A_358, %broadcast_in_dim3A_360 : vector<1024x16xi1>, vector<1024x16xf32>
    %reduce_min3A_362 = arith.constant dense<0x7F800000> : vector<1024xf32>
    %reduce_min3A_363 = vector.multi_reduction <minimumf>, %select_n3A_361, %reduce_min3A_362 [1] : vector<1024x16xf32> to vector<1024xf32>
    %broadcast_in_dim3A_364 = vector.shape_cast %reduce_min3A_363 : vector<1024xf32> to vector<1024x1xf32>
    %eq3A_365 = vector.broadcast %broadcast_in_dim3A_364 : vector<1024x1xf32> to vector<1024x16xf32>
    %eq3A_366 = arith.cmpf oeq, %select_n3A_361, %eq3A_365 : vector<1024x16xf32>
    %jit3A_367 = arith.constant 16 : i32
    %broadcast_in_dim3A_368 = vector.broadcast %jit3A_367 : i32 to vector<1024x16xi32>
    %select_n3A_369 = arith.select %eq3A_366, %iota3A, %broadcast_in_dim3A_368 : vector<1024x16xi1>, vector<1024x16xi32>
    %reduce_min3A_370 = arith.constant dense<2147483647> : vector<1024xi32>
    %reduce_min3A_371 = vector.multi_reduction <minsi>, %select_n3A_369, %reduce_min3A_370 [1] : vector<1024x16xi32> to vector<1024xi32>
    %broadcast_in_dim3A_372 = vector.shape_cast %reduce_min3A_371 : vector<1024xi32> to vector<1024x1xi32>
    %eq3A_373 = vector.broadcast %broadcast_in_dim3A_372 : vector<1024x1xi32> to vector<1024x16xi32>
    %eq3A_374 = arith.cmpi eq, %iota3A, %eq3A_373 : vector<1024x16xi32>
    %convert_element_type3A_375 = arith.extui %eq3A_374 : vector<1024x16xi1> to vector<1024x16xi32>
    %convert_element_type3A_376 = arith.sitofp %convert_element_type3A_375 : vector<1024x16xi32> to vector<1024x16xf32>
    %dot_general3A_377 = arith.constant dense<0.000000e+00> : vector<16x64xf32>
    %dot_general3A_378 = tpu.matmul %convert_element_type3A_376, %add3A_91, %dot_general3A_377 {dimension_numbers = #tpu.dot_dimension_numbers<[0], [0], [1], [1], [0, 1, 1, 1], [], []>, precision = #tpu.contract_precision<fp32>, transpose_lhs_hint = false} : vector<1024x16xf32>, vector<1024x64xf32>, vector<16x64xf32> -> vector<16x64xf32>
    %reduce_sum3A_379 = arith.constant dense<0.000000e+00> : vector<16xf32>
    %reduce_sum3A_380 = vector.multi_reduction <add>, %convert_element_type3A_376, %reduce_sum3A_379 [0] : vector<1024x16xf32> to vector<16xf32>
    %broadcast_in_dim3A_381 = vector.shape_cast %reduce_sum3A_380 : vector<16xf32> to vector<16x1xf32>
    %add3A_382 = arith.constant 9.99999993E-9 : f32
    %add3A_383 = vector.broadcast %add3A_382 : f32 to vector<16x1xf32>
    %add3A_384 = arith.addf %broadcast_in_dim3A_381, %add3A_383 : vector<16x1xf32>
    %div3A_385 = vector.broadcast %add3A_384 : vector<16x1xf32> to vector<16x64xf32>
    %div3A_386 = arith.divf %dot_general3A_378, %div3A_385 : vector<16x64xf32>
    %convert_element_type3A_387 = arith.truncf %div3A_386 : vector<16x64xf32> to vector<16x64xbf16>
    %dot_general3A_388 = arith.constant dense<0.000000e+00> : vector<1024x16xf32>
    %dot_general3A_389 = tpu.matmul %convert_element_type3A, %convert_element_type3A_387, %dot_general3A_388 {dimension_numbers = #tpu.dot_dimension_numbers<[1], [1], [0], [0], [0, 0, 1, 0], [], []>, transpose_lhs_hint = false} : vector<1024x64xbf16>, vector<16x64xbf16>, vector<1024x16xf32> -> vector<1024x16xf32>
    %mul3A_390 = arith.mulf %div3A_386, %div3A_386 : vector<16x64xf32>
    %reduce_sum3A_391 = arith.constant dense<0.000000e+00> : vector<16xf32>
    %reduce_sum3A_392 = vector.multi_reduction <add>, %mul3A_390, %reduce_sum3A_391 [1] : vector<16x64xf32> to vector<16xf32>
    %mul3A_393 = arith.constant 2.000000e+00 : f32
    %mul3A_394 = vector.broadcast %mul3A_393 : f32 to vector<1024x16xf32>
    %mul3A_395 = arith.mulf %mul3A_394, %dot_general3A_389 : vector<1024x16xf32>
    %sub3A_396 = vector.broadcast %broadcast_in_dim3A_179 : vector<1024x1xf32> to vector<1024x16xf32>
    %sub3A_397 = arith.subf %sub3A_396, %mul3A_395 : vector<1024x16xf32>
    %broadcast_in_dim3A_398 = vector.shape_cast %reduce_sum3A_392 : vector<16xf32> to vector<1x16xf32>
    %add3A_399 = vector.broadcast %broadcast_in_dim3A_398 : vector<1x16xf32> to vector<1024x16xf32>
    %add3A_400 = arith.addf %sub3A_397, %add3A_399 : vector<1024x16xf32>
    %jit3A_401 = arith.constant 0x7F800000 : f32
    %broadcast_in_dim3A_402 = vector.broadcast %jit3A_401 : f32 to vector<1024x16xf32>
    %select_n3A_403 = arith.select %lt3A_181, %add3A_400, %broadcast_in_dim3A_402 : vector<1024x16xi1>, vector<1024x16xf32>
    %reduce_min3A_404 = arith.constant dense<0x7F800000> : vector<1024xf32>
    %reduce_min3A_405 = vector.multi_reduction <minimumf>, %select_n3A_403, %reduce_min3A_404 [1] : vector<1024x16xf32> to vector<1024xf32>
    %broadcast_in_dim3A_406 = vector.shape_cast %reduce_min3A_405 : vector<1024xf32> to vector<1024x1xf32>
    %eq3A_407 = vector.broadcast %broadcast_in_dim3A_406 : vector<1024x1xf32> to vector<1024x16xf32>
    %eq3A_408 = arith.cmpf oeq, %select_n3A_403, %eq3A_407 : vector<1024x16xf32>
    %jit3A_409 = arith.constant 16 : i32
    %broadcast_in_dim3A_410 = vector.broadcast %jit3A_409 : i32 to vector<1024x16xi32>
    %select_n3A_411 = arith.select %eq3A_408, %iota3A, %broadcast_in_dim3A_410 : vector<1024x16xi1>, vector<1024x16xi32>
    %reduce_min3A_412 = arith.constant dense<2147483647> : vector<1024xi32>
    %reduce_min3A_413 = vector.multi_reduction <minsi>, %select_n3A_411, %reduce_min3A_412 [1] : vector<1024x16xi32> to vector<1024xi32>
    %broadcast_in_dim3A_414 = vector.shape_cast %reduce_min3A_413 : vector<1024xi32> to vector<1024x1xi32>
    %eq3A_415 = vector.broadcast %broadcast_in_dim3A_414 : vector<1024x1xi32> to vector<1024x16xi32>
    %eq3A_416 = arith.cmpi eq, %iota3A, %eq3A_415 : vector<1024x16xi32>
    %convert_element_type3A_417 = arith.extui %eq3A_416 : vector<1024x16xi1> to vector<1024x16xi32>
    %convert_element_type3A_418 = arith.sitofp %convert_element_type3A_417 : vector<1024x16xi32> to vector<1024x16xf32>
    %dot_general3A_419 = arith.constant dense<0.000000e+00> : vector<16x64xf32>
    %dot_general3A_420 = tpu.matmul %convert_element_type3A_418, %add3A_91, %dot_general3A_419 {dimension_numbers = #tpu.dot_dimension_numbers<[0], [0], [1], [1], [0, 1, 1, 1], [], []>, precision = #tpu.contract_precision<fp32>, transpose_lhs_hint = false} : vector<1024x16xf32>, vector<1024x64xf32>, vector<16x64xf32> -> vector<16x64xf32>
    %reduce_sum3A_421 = arith.constant dense<0.000000e+00> : vector<16xf32>
    %reduce_sum3A_422 = vector.multi_reduction <add>, %convert_element_type3A_418, %reduce_sum3A_421 [0] : vector<1024x16xf32> to vector<16xf32>
    %broadcast_in_dim3A_423 = vector.shape_cast %reduce_sum3A_422 : vector<16xf32> to vector<16x1xf32>
    %add3A_424 = arith.constant 9.99999993E-9 : f32
    %add3A_425 = vector.broadcast %add3A_424 : f32 to vector<16x1xf32>
    %add3A_426 = arith.addf %broadcast_in_dim3A_423, %add3A_425 : vector<16x1xf32>
    %div3A_427 = vector.broadcast %add3A_426 : vector<16x1xf32> to vector<16x64xf32>
    %div3A_428 = arith.divf %dot_general3A_420, %div3A_427 : vector<16x64xf32>
    %convert_element_type3A_429 = arith.truncf %div3A_428 : vector<16x64xf32> to vector<16x64xbf16>
    %dot_general3A_430 = arith.constant dense<0.000000e+00> : vector<1024x16xf32>
    %dot_general3A_431 = tpu.matmul %convert_element_type3A, %convert_element_type3A_429, %dot_general3A_430 {dimension_numbers = #tpu.dot_dimension_numbers<[1], [1], [0], [0], [0, 0, 1, 0], [], []>, transpose_lhs_hint = false} : vector<1024x64xbf16>, vector<16x64xbf16>, vector<1024x16xf32> -> vector<1024x16xf32>
    %mul3A_432 = arith.mulf %div3A_428, %div3A_428 : vector<16x64xf32>
    %reduce_sum3A_433 = arith.constant dense<0.000000e+00> : vector<16xf32>
    %reduce_sum3A_434 = vector.multi_reduction <add>, %mul3A_432, %reduce_sum3A_433 [1] : vector<16x64xf32> to vector<16xf32>
    %mul3A_435 = arith.constant 2.000000e+00 : f32
    %mul3A_436 = vector.broadcast %mul3A_435 : f32 to vector<1024x16xf32>
    %mul3A_437 = arith.mulf %mul3A_436, %dot_general3A_431 : vector<1024x16xf32>
    %sub3A_438 = vector.broadcast %broadcast_in_dim3A_179 : vector<1024x1xf32> to vector<1024x16xf32>
    %sub3A_439 = arith.subf %sub3A_438, %mul3A_437 : vector<1024x16xf32>
    %broadcast_in_dim3A_440 = vector.shape_cast %reduce_sum3A_434 : vector<16xf32> to vector<1x16xf32>
    %add3A_441 = vector.broadcast %broadcast_in_dim3A_440 : vector<1x16xf32> to vector<1024x16xf32>
    %add3A_442 = arith.addf %sub3A_439, %add3A_441 : vector<1024x16xf32>
    %jit3A_443 = arith.constant 0x7F800000 : f32
    %broadcast_in_dim3A_444 = vector.broadcast %jit3A_443 : f32 to vector<1024x16xf32>
    %select_n3A_445 = arith.select %lt3A_181, %add3A_442, %broadcast_in_dim3A_444 : vector<1024x16xi1>, vector<1024x16xf32>
    %reduce_min3A_446 = arith.constant dense<0x7F800000> : vector<1024xf32>
    %reduce_min3A_447 = vector.multi_reduction <minimumf>, %select_n3A_445, %reduce_min3A_446 [1] : vector<1024x16xf32> to vector<1024xf32>
    %broadcast_in_dim3A_448 = vector.shape_cast %reduce_min3A_447 : vector<1024xf32> to vector<1024x1xf32>
    %eq3A_449 = vector.broadcast %broadcast_in_dim3A_448 : vector<1024x1xf32> to vector<1024x16xf32>
    %eq3A_450 = arith.cmpf oeq, %select_n3A_445, %eq3A_449 : vector<1024x16xf32>
    %jit3A_451 = arith.constant 16 : i32
    %broadcast_in_dim3A_452 = vector.broadcast %jit3A_451 : i32 to vector<1024x16xi32>
    %select_n3A_453 = arith.select %eq3A_450, %iota3A, %broadcast_in_dim3A_452 : vector<1024x16xi1>, vector<1024x16xi32>
    %reduce_min3A_454 = arith.constant dense<2147483647> : vector<1024xi32>
    %reduce_min3A_455 = vector.multi_reduction <minsi>, %select_n3A_453, %reduce_min3A_454 [1] : vector<1024x16xi32> to vector<1024xi32>
    %broadcast_in_dim3A_456 = vector.shape_cast %reduce_min3A_455 : vector<1024xi32> to vector<1024x1xi32>
    %eq3A_457 = vector.broadcast %broadcast_in_dim3A_456 : vector<1024x1xi32> to vector<1024x16xi32>
    %eq3A_458 = arith.cmpi eq, %iota3A, %eq3A_457 : vector<1024x16xi32>
    %convert_element_type3A_459 = arith.extui %eq3A_458 : vector<1024x16xi1> to vector<1024x16xi32>
    %convert_element_type3A_460 = arith.sitofp %convert_element_type3A_459 : vector<1024x16xi32> to vector<1024x16xf32>
    %dot_general3A_461 = arith.constant dense<0.000000e+00> : vector<16x64xf32>
    %dot_general3A_462 = tpu.matmul %convert_element_type3A_460, %add3A_91, %dot_general3A_461 {dimension_numbers = #tpu.dot_dimension_numbers<[0], [0], [1], [1], [0, 1, 1, 1], [], []>, precision = #tpu.contract_precision<fp32>, transpose_lhs_hint = false} : vector<1024x16xf32>, vector<1024x64xf32>, vector<16x64xf32> -> vector<16x64xf32>
    %reduce_sum3A_463 = arith.constant dense<0.000000e+00> : vector<16xf32>
    %reduce_sum3A_464 = vector.multi_reduction <add>, %convert_element_type3A_460, %reduce_sum3A_463 [0] : vector<1024x16xf32> to vector<16xf32>
    %broadcast_in_dim3A_465 = vector.shape_cast %reduce_sum3A_464 : vector<16xf32> to vector<16x1xf32>
    %add3A_466 = arith.constant 9.99999993E-9 : f32
    %add3A_467 = vector.broadcast %add3A_466 : f32 to vector<16x1xf32>
    %add3A_468 = arith.addf %broadcast_in_dim3A_465, %add3A_467 : vector<16x1xf32>
    %div3A_469 = vector.broadcast %add3A_468 : vector<16x1xf32> to vector<16x64xf32>
    %div3A_470 = arith.divf %dot_general3A_462, %div3A_469 : vector<16x64xf32>
    %convert_element_type3A_471 = arith.truncf %div3A_470 : vector<16x64xf32> to vector<16x64xbf16>
    %dot_general3A_472 = arith.constant dense<0.000000e+00> : vector<1024x16xf32>
    %dot_general3A_473 = tpu.matmul %convert_element_type3A, %convert_element_type3A_471, %dot_general3A_472 {dimension_numbers = #tpu.dot_dimension_numbers<[1], [1], [0], [0], [0, 0, 1, 0], [], []>, transpose_lhs_hint = false} : vector<1024x64xbf16>, vector<16x64xbf16>, vector<1024x16xf32> -> vector<1024x16xf32>
    %mul3A_474 = arith.mulf %div3A_470, %div3A_470 : vector<16x64xf32>
    %reduce_sum3A_475 = arith.constant dense<0.000000e+00> : vector<16xf32>
    %reduce_sum3A_476 = vector.multi_reduction <add>, %mul3A_474, %reduce_sum3A_475 [1] : vector<16x64xf32> to vector<16xf32>
    %mul3A_477 = arith.constant 2.000000e+00 : f32
    %mul3A_478 = vector.broadcast %mul3A_477 : f32 to vector<1024x16xf32>
    %mul3A_479 = arith.mulf %mul3A_478, %dot_general3A_473 : vector<1024x16xf32>
    %sub3A_480 = vector.broadcast %broadcast_in_dim3A_179 : vector<1024x1xf32> to vector<1024x16xf32>
    %sub3A_481 = arith.subf %sub3A_480, %mul3A_479 : vector<1024x16xf32>
    %broadcast_in_dim3A_482 = vector.shape_cast %reduce_sum3A_476 : vector<16xf32> to vector<1x16xf32>
    %add3A_483 = vector.broadcast %broadcast_in_dim3A_482 : vector<1x16xf32> to vector<1024x16xf32>
    %add3A_484 = arith.addf %sub3A_481, %add3A_483 : vector<1024x16xf32>
    %jit3A_485 = arith.constant 0x7F800000 : f32
    %broadcast_in_dim3A_486 = vector.broadcast %jit3A_485 : f32 to vector<1024x16xf32>
    %select_n3A_487 = arith.select %lt3A_181, %add3A_484, %broadcast_in_dim3A_486 : vector<1024x16xi1>, vector<1024x16xf32>
    %reduce_min3A_488 = arith.constant dense<0x7F800000> : vector<1024xf32>
    %reduce_min3A_489 = vector.multi_reduction <minimumf>, %select_n3A_487, %reduce_min3A_488 [1] : vector<1024x16xf32> to vector<1024xf32>
    %broadcast_in_dim3A_490 = vector.shape_cast %reduce_min3A_489 : vector<1024xf32> to vector<1024x1xf32>
    %eq3A_491 = vector.broadcast %broadcast_in_dim3A_490 : vector<1024x1xf32> to vector<1024x16xf32>
    %eq3A_492 = arith.cmpf oeq, %select_n3A_487, %eq3A_491 : vector<1024x16xf32>
    %jit3A_493 = arith.constant 16 : i32
    %broadcast_in_dim3A_494 = vector.broadcast %jit3A_493 : i32 to vector<1024x16xi32>
    %select_n3A_495 = arith.select %eq3A_492, %iota3A, %broadcast_in_dim3A_494 : vector<1024x16xi1>, vector<1024x16xi32>
    %reduce_min3A_496 = arith.constant dense<2147483647> : vector<1024xi32>
    %reduce_min3A_497 = vector.multi_reduction <minsi>, %select_n3A_495, %reduce_min3A_496 [1] : vector<1024x16xi32> to vector<1024xi32>
    %broadcast_in_dim3A_498 = vector.shape_cast %reduce_min3A_497 : vector<1024xi32> to vector<1024x1xi32>
    %eq3A_499 = vector.broadcast %broadcast_in_dim3A_498 : vector<1024x1xi32> to vector<1024x16xi32>
    %eq3A_500 = arith.cmpi eq, %iota3A, %eq3A_499 : vector<1024x16xi32>
    %convert_element_type3A_501 = arith.extui %eq3A_500 : vector<1024x16xi1> to vector<1024x16xi32>
    %convert_element_type3A_502 = arith.sitofp %convert_element_type3A_501 : vector<1024x16xi32> to vector<1024x16xf32>
    %dot_general3A_503 = arith.constant dense<0.000000e+00> : vector<16x64xf32>
    %dot_general3A_504 = tpu.matmul %convert_element_type3A_502, %add3A_91, %dot_general3A_503 {dimension_numbers = #tpu.dot_dimension_numbers<[0], [0], [1], [1], [0, 1, 1, 1], [], []>, precision = #tpu.contract_precision<fp32>, transpose_lhs_hint = false} : vector<1024x16xf32>, vector<1024x64xf32>, vector<16x64xf32> -> vector<16x64xf32>
    %reduce_sum3A_505 = arith.constant dense<0.000000e+00> : vector<16xf32>
    %reduce_sum3A_506 = vector.multi_reduction <add>, %convert_element_type3A_502, %reduce_sum3A_505 [0] : vector<1024x16xf32> to vector<16xf32>
    %broadcast_in_dim3A_507 = vector.shape_cast %reduce_sum3A_506 : vector<16xf32> to vector<16x1xf32>
    %add3A_508 = arith.constant 9.99999993E-9 : f32
    %add3A_509 = vector.broadcast %add3A_508 : f32 to vector<16x1xf32>
    %add3A_510 = arith.addf %broadcast_in_dim3A_507, %add3A_509 : vector<16x1xf32>
    %div3A_511 = vector.broadcast %add3A_510 : vector<16x1xf32> to vector<16x64xf32>
    %div3A_512 = arith.divf %dot_general3A_504, %div3A_511 : vector<16x64xf32>
    %convert_element_type3A_513 = arith.truncf %div3A_512 : vector<16x64xf32> to vector<16x64xbf16>
    %dot_general3A_514 = arith.constant dense<0.000000e+00> : vector<1024x16xf32>
    %dot_general3A_515 = tpu.matmul %convert_element_type3A, %convert_element_type3A_513, %dot_general3A_514 {dimension_numbers = #tpu.dot_dimension_numbers<[1], [1], [0], [0], [0, 0, 1, 0], [], []>, transpose_lhs_hint = false} : vector<1024x64xbf16>, vector<16x64xbf16>, vector<1024x16xf32> -> vector<1024x16xf32>
    %mul3A_516 = arith.mulf %div3A_512, %div3A_512 : vector<16x64xf32>
    %reduce_sum3A_517 = arith.constant dense<0.000000e+00> : vector<16xf32>
    %reduce_sum3A_518 = vector.multi_reduction <add>, %mul3A_516, %reduce_sum3A_517 [1] : vector<16x64xf32> to vector<16xf32>
    %mul3A_519 = arith.constant 2.000000e+00 : f32
    %mul3A_520 = vector.broadcast %mul3A_519 : f32 to vector<1024x16xf32>
    %mul3A_521 = arith.mulf %mul3A_520, %dot_general3A_515 : vector<1024x16xf32>
    %sub3A_522 = vector.broadcast %broadcast_in_dim3A_179 : vector<1024x1xf32> to vector<1024x16xf32>
    %sub3A_523 = arith.subf %sub3A_522, %mul3A_521 : vector<1024x16xf32>
    %broadcast_in_dim3A_524 = vector.shape_cast %reduce_sum3A_518 : vector<16xf32> to vector<1x16xf32>
    %add3A_525 = vector.broadcast %broadcast_in_dim3A_524 : vector<1x16xf32> to vector<1024x16xf32>
    %add3A_526 = arith.addf %sub3A_523, %add3A_525 : vector<1024x16xf32>
    %jit3A_527 = arith.constant 0x7F800000 : f32
    %broadcast_in_dim3A_528 = vector.broadcast %jit3A_527 : f32 to vector<1024x16xf32>
    %select_n3A_529 = arith.select %lt3A_181, %add3A_526, %broadcast_in_dim3A_528 : vector<1024x16xi1>, vector<1024x16xf32>
    %reduce_min3A_530 = arith.constant dense<0x7F800000> : vector<1024xf32>
    %reduce_min3A_531 = vector.multi_reduction <minimumf>, %select_n3A_529, %reduce_min3A_530 [1] : vector<1024x16xf32> to vector<1024xf32>
    %broadcast_in_dim3A_532 = vector.shape_cast %reduce_min3A_531 : vector<1024xf32> to vector<1024x1xf32>
    %eq3A_533 = vector.broadcast %broadcast_in_dim3A_532 : vector<1024x1xf32> to vector<1024x16xf32>
    %eq3A_534 = arith.cmpf oeq, %select_n3A_529, %eq3A_533 : vector<1024x16xf32>
    %jit3A_535 = arith.constant 16 : i32
    %broadcast_in_dim3A_536 = vector.broadcast %jit3A_535 : i32 to vector<1024x16xi32>
    %select_n3A_537 = arith.select %eq3A_534, %iota3A, %broadcast_in_dim3A_536 : vector<1024x16xi1>, vector<1024x16xi32>
    %reduce_min3A_538 = arith.constant dense<2147483647> : vector<1024xi32>
    %reduce_min3A_539 = vector.multi_reduction <minsi>, %select_n3A_537, %reduce_min3A_538 [1] : vector<1024x16xi32> to vector<1024xi32>
    %broadcast_in_dim3A_540 = vector.shape_cast %reduce_min3A_539 : vector<1024xi32> to vector<1024x1xi32>
    %eq3A_541 = vector.broadcast %broadcast_in_dim3A_540 : vector<1024x1xi32> to vector<1024x16xi32>
    %eq3A_542 = arith.cmpi eq, %iota3A, %eq3A_541 : vector<1024x16xi32>
    %convert_element_type3A_543 = arith.extui %eq3A_542 : vector<1024x16xi1> to vector<1024x16xi32>
    %convert_element_type3A_544 = arith.sitofp %convert_element_type3A_543 : vector<1024x16xi32> to vector<1024x16xf32>
    %dot_general3A_545 = arith.constant dense<0.000000e+00> : vector<16x64xf32>
    %dot_general3A_546 = tpu.matmul %convert_element_type3A_544, %add3A_91, %dot_general3A_545 {dimension_numbers = #tpu.dot_dimension_numbers<[0], [0], [1], [1], [0, 1, 1, 1], [], []>, precision = #tpu.contract_precision<fp32>, transpose_lhs_hint = false} : vector<1024x16xf32>, vector<1024x64xf32>, vector<16x64xf32> -> vector<16x64xf32>
    %reduce_sum3A_547 = arith.constant dense<0.000000e+00> : vector<16xf32>
    %reduce_sum3A_548 = vector.multi_reduction <add>, %convert_element_type3A_544, %reduce_sum3A_547 [0] : vector<1024x16xf32> to vector<16xf32>
    %broadcast_in_dim3A_549 = vector.shape_cast %reduce_sum3A_548 : vector<16xf32> to vector<16x1xf32>
    %add3A_550 = arith.constant 9.99999993E-9 : f32
    %add3A_551 = vector.broadcast %add3A_550 : f32 to vector<16x1xf32>
    %add3A_552 = arith.addf %broadcast_in_dim3A_549, %add3A_551 : vector<16x1xf32>
    %div3A_553 = vector.broadcast %add3A_552 : vector<16x1xf32> to vector<16x64xf32>
    %div3A_554 = arith.divf %dot_general3A_546, %div3A_553 : vector<16x64xf32>
    %convert_element_type3A_555 = arith.truncf %div3A_554 : vector<16x64xf32> to vector<16x64xbf16>
    %dot_general3A_556 = arith.constant dense<0.000000e+00> : vector<1024x16xf32>
    %dot_general3A_557 = tpu.matmul %convert_element_type3A, %convert_element_type3A_555, %dot_general3A_556 {dimension_numbers = #tpu.dot_dimension_numbers<[1], [1], [0], [0], [0, 0, 1, 0], [], []>, transpose_lhs_hint = false} : vector<1024x64xbf16>, vector<16x64xbf16>, vector<1024x16xf32> -> vector<1024x16xf32>
    %mul3A_558 = arith.mulf %div3A_554, %div3A_554 : vector<16x64xf32>
    %reduce_sum3A_559 = arith.constant dense<0.000000e+00> : vector<16xf32>
    %reduce_sum3A_560 = vector.multi_reduction <add>, %mul3A_558, %reduce_sum3A_559 [1] : vector<16x64xf32> to vector<16xf32>
    %mul3A_561 = arith.constant 2.000000e+00 : f32
    %mul3A_562 = vector.broadcast %mul3A_561 : f32 to vector<1024x16xf32>
    %mul3A_563 = arith.mulf %mul3A_562, %dot_general3A_557 : vector<1024x16xf32>
    %sub3A_564 = vector.broadcast %broadcast_in_dim3A_179 : vector<1024x1xf32> to vector<1024x16xf32>
    %sub3A_565 = arith.subf %sub3A_564, %mul3A_563 : vector<1024x16xf32>
    %broadcast_in_dim3A_566 = vector.shape_cast %reduce_sum3A_560 : vector<16xf32> to vector<1x16xf32>
    %add3A_567 = vector.broadcast %broadcast_in_dim3A_566 : vector<1x16xf32> to vector<1024x16xf32>
    %add3A_568 = arith.addf %sub3A_565, %add3A_567 : vector<1024x16xf32>
    %jit3A_569 = arith.constant 0x7F800000 : f32
    %broadcast_in_dim3A_570 = vector.broadcast %jit3A_569 : f32 to vector<1024x16xf32>
    %select_n3A_571 = arith.select %lt3A_181, %add3A_568, %broadcast_in_dim3A_570 : vector<1024x16xi1>, vector<1024x16xf32>
    %reduce_min3A_572 = arith.constant dense<0x7F800000> : vector<1024xf32>
    %reduce_min3A_573 = vector.multi_reduction <minimumf>, %select_n3A_571, %reduce_min3A_572 [1] : vector<1024x16xf32> to vector<1024xf32>
    %broadcast_in_dim3A_574 = vector.shape_cast %reduce_min3A_573 : vector<1024xf32> to vector<1024x1xf32>
    %eq3A_575 = vector.broadcast %broadcast_in_dim3A_574 : vector<1024x1xf32> to vector<1024x16xf32>
    %eq3A_576 = arith.cmpf oeq, %select_n3A_571, %eq3A_575 : vector<1024x16xf32>
    %jit3A_577 = arith.constant 16 : i32
    %broadcast_in_dim3A_578 = vector.broadcast %jit3A_577 : i32 to vector<1024x16xi32>
    %select_n3A_579 = arith.select %eq3A_576, %iota3A, %broadcast_in_dim3A_578 : vector<1024x16xi1>, vector<1024x16xi32>
    %reduce_min3A_580 = arith.constant dense<2147483647> : vector<1024xi32>
    %reduce_min3A_581 = vector.multi_reduction <minsi>, %select_n3A_579, %reduce_min3A_580 [1] : vector<1024x16xi32> to vector<1024xi32>
    %broadcast_in_dim3A_582 = vector.shape_cast %reduce_min3A_581 : vector<1024xi32> to vector<1024x1xi32>
    %eq3A_583 = vector.broadcast %broadcast_in_dim3A_582 : vector<1024x1xi32> to vector<1024x16xi32>
    %eq3A_584 = arith.cmpi eq, %iota3A, %eq3A_583 : vector<1024x16xi32>
    %convert_element_type3A_585 = arith.extui %eq3A_584 : vector<1024x16xi1> to vector<1024x16xi32>
    %convert_element_type3A_586 = arith.sitofp %convert_element_type3A_585 : vector<1024x16xi32> to vector<1024x16xf32>
    %dot_general3A_587 = arith.constant dense<0.000000e+00> : vector<16x64xf32>
    %dot_general3A_588 = tpu.matmul %convert_element_type3A_586, %add3A_91, %dot_general3A_587 {dimension_numbers = #tpu.dot_dimension_numbers<[0], [0], [1], [1], [0, 1, 1, 1], [], []>, precision = #tpu.contract_precision<fp32>, transpose_lhs_hint = false} : vector<1024x16xf32>, vector<1024x64xf32>, vector<16x64xf32> -> vector<16x64xf32>
    %reduce_sum3A_589 = arith.constant dense<0.000000e+00> : vector<16xf32>
    %reduce_sum3A_590 = vector.multi_reduction <add>, %convert_element_type3A_586, %reduce_sum3A_589 [0] : vector<1024x16xf32> to vector<16xf32>
    %broadcast_in_dim3A_591 = vector.shape_cast %reduce_sum3A_590 : vector<16xf32> to vector<16x1xf32>
    %add3A_592 = arith.constant 9.99999993E-9 : f32
    %add3A_593 = vector.broadcast %add3A_592 : f32 to vector<16x1xf32>
    %add3A_594 = arith.addf %broadcast_in_dim3A_591, %add3A_593 : vector<16x1xf32>
    %div3A_595 = vector.broadcast %add3A_594 : vector<16x1xf32> to vector<16x64xf32>
    %div3A_596 = arith.divf %dot_general3A_588, %div3A_595 : vector<16x64xf32>
    %dot_general3A_597 = arith.constant dense<0.000000e+00> : vector<1024x64xf32>
    %dot_general3A_598 = tpu.matmul %convert_element_type3A_586, %div3A_596, %dot_general3A_597 {dimension_numbers = #tpu.dot_dimension_numbers<[1], [0], [0], [1], [0, 0, 1, 1], [], []>, precision = #tpu.contract_precision<fp32>, transpose_lhs_hint = false} : vector<1024x16xf32>, vector<16x64xf32>, vector<1024x64xf32> -> vector<1024x64xf32>
    %swap3A_599 = arith.constant 0 : index
    %swap3A_600 = arith.constant 0 : index
    %swap3A_601 = arith.constant 0 : index
    %swap3A_602 = vector.load %arg4[%swap3A_599, %swap3A_600, %swap3A_601] : memref<1x1024x64xf32, #tpu.memory_space<vmem>>, vector<1x1024x64xf32>
    %swap3A_603 = vector.shape_cast %swap3A_602 : vector<1x1024x64xf32> to vector<1024x64xf32>
    %swap3A_604 = vector.shape_cast %dot_general3A_598 : vector<1024x64xf32> to vector<1x1024x64xf32>
    tpu.vector_store %arg4[%swap3A_599, %swap3A_600, %swap3A_601], %swap3A_604 {strides = array<i32>} : memref<1x1024x64xf32, #tpu.memory_space<vmem>>, vector<1x1024x64xf32>,
    return
  }
  func.func @transform_0(%arg0: i32) -> (i32, i32, i32) {
    %c0_i32 = arith.constant 0 : i32
    %c0_i32_0 = arith.constant 0 : i32
    %c0_i32_1 = arith.constant 0 : i32
    return %arg0, %c0_i32, %c0_i32_0 : i32, i32, i32
  }
  func.func @transform_1(%arg0: i32) -> (i32, i32, i32, i32) {
    %c0_i32 = arith.constant 0 : i32
    %c0_i32_0 = arith.constant 0 : i32
    %c0_i32_1 = arith.constant 0 : i32
    %c0_i32_2 = arith.constant 0 : i32
    return %arg0, %c0_i32, %c0_i32_0, %c0_i32_1 : i32, i32, i32, i32
  }
  func.func @transform_2(%arg0: i32) -> (i32, i32, i32) {
    %c0_i32 = arith.constant 0 : i32
    %c0_i32_0 = arith.constant 0 : i32
    %c0_i32_1 = arith.constant 0 : i32
    return %arg0, %c0_i32, %c0_i32_0 : i32, i32, i32
  }
  func.func @transform_3(%arg0: i32) -> (i32, i32, i32) {
    %c0_i32 = arith.constant 0 : i32
    %c0_i32_0 = arith.constant 0 : i32
    %c0_i32_1 = arith.constant 0 : i32
    return %arg0, %c0_i32, %c0_i32_0 : i32, i32, i32
  }
}

</mosaic_0001>

<sc_bundles>
// kernel: kernel.5.cloned.1.call-start
scs
__scs_entry_jumppad:
0x0: {  	(pc) =	sbr.rel $0x88, $3  }
0x1: {  	(tag) =	ssettag $0x0;
	lr =	simm.s32 $0x1  }
0x2: {  	[smem:$0x3F9F] =	sst lr;
	_ =	strace $0xD0000000  }
0x3: {  	_ = 	snop  }
0x4: {  	_ = 	snop  }
0x5: {  	_ = 	snop  }
0x6: {  	_ = 	snop  }
0x7: {  	_ = 	snop  }
__scs_overlays_trampoline_lowered:
0x8: {  	[smem:$0x3FAE] =	sst s0  }
0x9: {  	[smem:$0x3FAF] =	sst s1  }
0xa: {  	[smem:$0x3FB0] =	sst s2  }
0xb: {  	[smem:$0x3FB1] =	sst s3  }
0xc: {  	[smem:$0x3FB2] =	sst s4  }
0xd: {  	[smem:$0x3FB3] =	sst s5  }
0xe: {  	[smem:$0x3FB4] =	sst s6  }
0xf: {  	[smem:$0x3FB5] =	sst s7  }
0x10: {  	[smem:$0x3FB6] =	sst s8  }
0x11: {  	[smem:$0x3FB7] =	sst s9;
	s0 =	simm.s32 @!p0 $0x0  }
0x12: {  	s1 =	sld [smem:$0x3F9D];
	s0 =	simm.s32 @p0 $0x1  }
0x13: {  	[smem:$0x3FB8] =	sst s0;
	s0 =	simm.s32 @!p1 $0x0  }
0x14: {  	s2 =	sld [smem:$0x3F9C];
	s0 =	simm.s32 @p1 $0x1  }
0x15: {  	[smem:$0x3FB9] =	sst s0;
	s0 =	simm.s32 @!p2 $0x0  }
0x16: {  	s3 =	sld [smem:$0x3FDB];
	s0 =	simm.s32 @p2 $0x1  }
0x17: {  	s4 =	simm.s32 $0x1BF5;
	[smem:$0x3FBB] =	sst s0  }
0x18: {  	s0 =	sld [smem:$0x3F9E];
	_ =	swait.ge [sflag:s4], $0x0  }
0x19: {  	s7 =	sld [smem:$0x3F9F]  }
0x1a: {  	s8 =	sadd.s32 $0xFFFFE003, lr  }
0x1b: {  	s9 =	sadd.s32 $0xFFFFFEF7, lr;
	s5 =	simm.s32 $0xFFFFFFFF;
	p2 =	slt.u32 s8, $0xFFFFF086  }
0x1c: {  	p1 =	slt.u32 s9, $0xF7A;
	s5 =	simm.s32 @!p2 $0x0  }
0x1d: {  	s5 =	simm.s32 @p1 $0x1;
	p0 =	seq.s32 s7, s2  }
0x1e: {  	s7 =	smul.u32 @!p0 $0xF7A, s2;
	p2 =	seq.s32 @!p0 s5, $0x0  }
0x1f: {  	s9 =	smul.u32 $0xF7A, s1;
	s8 =	simm.s32 @!p0 $0x1BF5;
	p2 =	por !p2, p0  }
0x20: {  	[sflag:s8] =	ssyncset.s32 @!p0 $0xFFFFF086;
	s6 =	sadd.s32 @!p0 s3, s7;
	s7 =	simm.s32 @!p0 $0x108  }
0x21: {  	s3 =	sadd.s32 s3, s9;
	s6 =	sadd.s32 @!p0 $0x88, s6;
	s7 =	simm.s32 @p2 $0x1082  }
0x22: {  	[simem:s7], [sflag:s8] =	dma.local @!p0 [hbm:s6], $0xF7A  }
0x23: {  	s9 =	sor.u32 $0xD0000000, s2;
	s6 =	simm.s32 $0x108;
	_ =	swait.ge @!p0 [sflag:s8], $0x0  }
0x24: {  	s3 =	sadd.s32 $0x88, s3;
	s6 =	simm.s32 @!p1 $0x1082;
	[sflag:s4] =	ssyncset.s32 $0xFFFFF086  }
0x25: {  	[simem:s6], [sflag:s4] =	dma.local [hbm:s3], $0xF7A  }
0x26: {  	[smem:$0x3F9F] =	sst s1;
	(tag) =	ssettag s2;
	_ =	strace s9  }
0x27: {  	s1 =	sld [smem:$0x3FAF]  }
0x28: {  	s2 =	sld [smem:$0x3FB0]  }
0x29: {  	s4 =	sld [smem:$0x3FB2]  }
0x2a: {  	p0 =	seq.s32 s5, $0x0;
	s5 =	sld [smem:$0x3FB3]  }
0x2b: {  	s6 =	sld [smem:$0x3FB4]  }
0x2c: {  	s7 =	sld [smem:$0x3FB5]  }
0x2d: {  	s3 =	simm.s32 $0x108;
	s8 =	sld [smem:$0x3FB6]  }
0x2e: {  	s3 =	simm.s32 @!p0 $0x1082;
	s9 =	sld [smem:$0x3FB7]  }
0x2f: {  	lr =	sadd.s32 s0, s3;
	s0 =	sld [smem:$0x3FAE]  }
0x30: {  	s3 =	sld [smem:$0x3FB1]  }
0x31: {  	[smem:$0x3FBA] =	sst s10  }
0x32: {  	s10 =	sld [smem:$0x3FB8];
	_ =	sdelay $0x3  }
0x33: {  	p0 =	seq.s32 s10, $0x1;
	s10 =	sld [smem:$0x3FBA];
	_ =	sdelay $0x3  }
0x34: {  	[smem:$0x3FBA] =	sst s10  }
0x35: {  	s10 =	sld [smem:$0x3FB9];
	_ =	sdelay $0x3  }
0x36: {  	p1 =	seq.s32 s10, $0x1;
	s10 =	sld [smem:$0x3FBA];
	_ =	sdelay $0x3  }
0x37: {  	[smem:$0x3FBA] =	sst s10  }
0x38: {  	s10 =	sld [smem:$0x3FBB]  }
0x39: {  	_ = 	snop;
	(pc) =	sbr.ind lr, $3  }
0x3a: {  	_ = 	snop  }
0x3b: {  	_ = 	snop  }
0x3c: {  	p2 =	seq.s32 s10, $0x1;
	s10 =	sld [smem:$0x3FBA]  }
0x3d: {  	_ =	shalt  }
0x3e: {  	_ =	shalt  }
0x3f: {  	_ =	shalt  }
0x40: {  	_ =	shalt  }
0x41: {  	_ =	shalt  }
0x42: {  	_ =	shalt  }
0x43: {  	_ =	shalt  }
0x44: {  	_ =	shalt  }
0x45: {  	_ =	shalt  }
0x46: {  	_ =	shalt  }
0x47: {  	_ =	shalt  }
0x48: {  	_ =	shalt  }
0x49: {  	_ =	shalt  }
0x4a: {  	_ =	shalt  }
0x4b: {  	_ =	shalt  }
0x4c: {  	_ =	shalt  }
0x4d: {  	_ =	shalt  }
0x4e: {  	_ =	shalt  }
0x4f: {  	_ =	shalt  }
0x50: {  	_ =	shalt  }
0x51: {  	_ =	shalt  }
0x52: {  	_ =	shalt  }
0x53: {  	_ =	shalt  }
0x54: {  	_ =	shalt  }
0x55: {  	_ =	shalt  }
0x56: {  	_ =	shalt  }
0x57: {  	_ =	shalt  }
0x58: {  	_ =	shalt  }
0x59: {  	_ =	shalt  }
0x5a: {  	_ =	shalt  }
0x5b: {  	_ =	shalt  }
0x5c: {  	_ =	shalt  }
0x5d: {  	_ =	shalt  }
0x5e: {  	_ =	shalt  }
0x5f: {  	_ =	shalt  }
0x60: {  	_ =	shalt  }
0x61: {  	_ =	shalt  }
0x62: {  	_ =	shalt  }
0x63: {  	_ =	shalt  }
0x64: {  	_ =	shalt  }
0x65: {  	_ =	shalt  }
0x66: {  	_ =	shalt  }
0x67: {  	_ =	shalt  }
0x68: {  	_ =	shalt  }
0x69: {  	_ =	shalt  }
0x6a: {  	_ =	shalt  }
0x6b: {  	_ =	shalt  }
0x6c: {  	_ =	shalt  }
0x6d: {  	_ =	shalt  }
0x6e: {  	_ =	shalt  }
0x6f: {  	_ =	shalt  }
0x70: {  	_ =	shalt  }
0x71: {  	_ =	shalt  }
0x72: {  	_ =	shalt  }
0x73: {  	_ =	shalt  }
0x74: {  	_ =	shalt  }
0x75: {  	_ =	shalt  }
0x76: {  	_ =	shalt  }
0x77: {  	_ =	shalt  }
0x78: {  	_ =	shalt  }
0x79: {  	_ =	shalt  }
0x7a: {  	_ =	shalt  }
0x7b: {  	_ =	shalt  }
0x7c: {  	_ =	shalt  }
0x7d: {  	_ =	shalt  }
0x7e: {  	_ =	shalt  }
0x7f: {  	_ =	shalt  }
0x80: {  	_ =	shalt  }
0x81: {  	_ =	shalt  }
0x82: {  	_ =	shalt  }
0x83: {  	_ =	shalt  }
0x84: {  	_ =	shalt  }
0x85: {  	_ =	shalt  }
0x86: {  	_ =	shalt  }
0x87: {  	_ =	shalt  }
.Lfunc_end0:
.L_simem_size_0:
called_computation_lowered:
.L_overlay_start_0:
0x88: {  	s2 =	sld [smem:$0x3FD9]  }
0x89: {  	s3 =	sld [smem:$0x3FFE];
	_ =	sdelay $0x1  }
0x8a: {  	s1 =	srdreg.scid  }
0x8b: {  	s0 =	sand.u32 $0x1, s1  }
0x8c: {  	s17 =	sshll.u32 s0, $0xA;
	s2 =	sadd.s32 s3, s2  }
0x8d: {  	s2 =	sadd.s32 s2, s17  }
0x8e: {  	[smem:$0x3FC6] =	sst s2  }
0x8f: {  	_ = 	snop  }
0x90: {  	s2 =	sld [smem:$0x3FD0];
	(tm) =	ssettm $0x1  }
0x91: {  	s18 =	sld [smem:$0x3FFB];
	_ =	sdelay $0x3  }
0x92: {  	_ =	strace s18  }
0x93: {  	s3 =	sld [smem:$0x3FFC];
	_ =	sdelay $0x3  }
0x94: {  	_ =	strace s3  }
0x95: {  	s3 =	sld [smem:$0x3FFD];
	_ =	sdelay $0x3  }
0x96: {  	_ =	strace s3  }
0x97: {  	_ =	strace $0x8FFFFFFF  }
0x98: {  	s19 =	sld [smem:$0x3FDB];
	_ =	sdelay $0x1  }
0x99: {  	s4 =	simm.s32 $_scs_section_size  }
0x9a: {  	s5 =	simm.s32 $_size__tile_overlayer_lowered;
	s6 =	simm.s32 $_tile_overlayer_lowered  }
0x9b: {  	s22 =	simm.s32 $0x1BFF;
	s21 =	sshll.u32 s6, $0x1;
	s3 =	sadd.s32 s4, s19  }
0x9c: {  	s7 =	simm.s32 $0x0;
	s20 =	sshll.u32 s5, $0x1;
	s5 =	sadd.s32 s21, s3  }
0x9d: {  	[timem:s7], [sflag:s22] =	dma.local [hbm:s5], s20  }
0x9e: {  	_ =	swait.ge [sflag:s22], s20  }
0x9f: {  	s4 =	ssub.s32 $0x0, s20;
	[sflag:s22] =	ssyncset.done $0x0  }
0xa0: {  	[sflag:s22] =	ssyncadd.s32 s4;
	_ =	sdelay $0x1  }
0xa1: {  	s23 =	simm.s32 $0x1B8B  }
0xa2: {  	_ =	swait.ge [sflag:s23], $0x1  }
0xa3: {  	[sflag:s23] =	ssyncset.done $0x0  }
0xa4: {  	s25 =	simm.s32 $0x1B8E;
	s24 =	sld [smem:$0x3FFE];
	[sflag:s23] =	ssyncadd.s32 $0xFFFFFFFF  }
0xa5: {  	s26 =	simm.s32 $execute0_lowered;
	[smem:$0x3FD2] =	sst s25  }
0xa6: {  	s5 =	sshll.u32 s26, $0x1;
	_ =	strace $0x80000046;
	[dreg:$0x1] =	wrdreg $0xFFFFFFFF  }
0xa7: {  	s28 =	simm.s32 $_size_execute0_lowered;
	s3 =	sadd.s32 s3, s5;
	[dreg:$0x0] =	wrdreg $0x0  }
0xa8: {  	s5 =	sshll.u32 s28, $0x1;
	[dreg:$0x2] =	wrdreg s3  }
0xa9: {  	[dreg:$0x3] =	wrdreg s5  }
0xaa: {  	[dreg:$0x4] =	wrdreg $0xC0  }
0xab: {  	_ =	task [dreg:s7], $0x5FFFF  }
0xac: {  	[dreg:$0x1] =	wrdreg $0xFFFFFFFF  }
0xad: {  	[dreg:$0x0] =	wrdreg $0x60  }
0xae: {  	[dreg:$0x2] =	wrdreg s2  }
0xaf: {  	[dreg:$0x3] =	wrdreg s24  }
0xb0: {  	[dreg:$0x4] =	wrdreg $0x9  }
0xb1: {  	_ =	task.clear_ibuf [dreg:s7], $0x5FFFF;
	_ =	strace $0x90000046  }
0xb2: {  	s29 =	simm.s32 $0x9;
	_ =	strace $0x80000048  }
0xb3: {  	_ =	swait.ge [sflag:s29], $0x1  }
0xb4: {  	[sflag:s29] =	ssyncadd.s32 $0xFFFFFFFF  }
0xb5: {  	_ =	strace $0x90000048  }
0xb6: {  	_ =	sfence  }
0xb7: {  	s30 =	sld [smem:$0x0];
	_ =	sdelay $0x2  }
0xb8: {  	s31 =	sshll.u32 s1, $0xD;
	s1 =	sshrl.u32 s1, $0x2  }
0xb9: {  	s3 =	sand.u32 $0x4000, s31;
	s1 =	sadd.s32 s1, s30  }
0xba: {  	s0 =	sor.u32 s3, s0;
	s1 =	sshll.u32 s1, $0x11  }
0xbb: {  	s0 =	sor.u32 s1, s0  }
0xbc: {  	s0 =	sadd.s32 $0x8F2B, s0  }
0xbd: {  	[sflag:s0] =	ssyncadd.remote.s32 $0x1  }
0xbe: {  	_ =	sfence.sel $0xFFFF  }
0xbf: {  	[dreg:$0x0] =	wrdreg $0xFFFFFFFF;
	(pc) =	sbr.abs _section_cstart, $3  }
0xc0: {  	[dreg:$0x1] =	wrdreg $0xFFFFFFFF  }
0xc1: {  	_ =	task.clear_ibuf [dreg:s7], $0x2FFFF;
	_ =	strace $0x9FFFFFFF  }
0xc2: {  	(tm) =	ssettm $0x7FFFFFFF  }
0xc3: {  	_ =	shalt  }
tec
execute0_lowered:
.L_overlay_start_1:
0x0: {  	(tag) =	ssettag $0x1  }
0x1: {  	s1 =	srdreg.scid  }
0x2: {  	s2 =	rddreg [dreg:$0x0];
	s0 =	stileid.u32;
	s10 =	sand.u32 $0x1, s1  }
0x3: {  	s8 =	rddreg [dreg:$0x1];
	s4 =	sshll.u32 s0, $0xC;
	s5 =	sshll.u32 s10, $0xB  }
0x4: {  	s3 =	simm.s32 $0x0;
	s1 =	rddreg [dreg:$0x2];
	s9 =	sor.u32 s5, s4  }
0x5: {  	[smem:$0x7FF] =	sst s3;
	s11 =	sadd.s32 $0x20E00, s8;
	s4 =	sshrl.u32 s9, $0x3  }
0x6: {  	_ =	strace $0x80000047;
	s5 =	sadd.s32 s11, s4;
	s4 =	simm.s32 $0x2  }
0x7: {  	[tilespmem:s3], [sflag:$0x2] =	stream.linear.gather [hbm4b:s5+s3], $0x400, $0x38;
	[tilespmem:$0x10400] =	vst v63  }
0x8: {  	_ =	swait.ge [sflag:s4], $0x400  }
0x9: {  	[sflag:s4] =	ssyncset.done $0x0  }
0xa: {  	s6 =	simm.s32 $0x400;
	s7 =	simm.s32 $0x1;
	[sflag:s4] =	ssyncadd.s32 $0xFFFFFC00  }
0xb: {  	[tilespmem:s6], [sflag:$0x1] =	stream.indirect.gather [hbm4b:s2+s6], $0x40, s3, s6, $0xb8;
	[tilespmem:$0x10400] =	vst v63  }
0xc: {  	_ =	swait.ge [sflag:s7], $0x10000  }
0xd: {  	s12 =	sadd.s32 $0x22E00, s8;
	s29 =	sshll.u32 s9, $0x3;
	[sflag:s7] =	ssyncset.done $0x0  }
0xe: {  	s8 =	sadd.s32 s12, s29;
	[sflag:s7] =	ssyncadd.s32 $0xFFFF0000  }
0xf: {  	[hbm4b:s8+s3] =	stream.linear.scatter [tilespmem:s6], [sflag:$0x2], $0x10000, $0x38;
	[tilespmem:$0x10400] =	vst v63  }
0x10: {  	s13 =	sor.u32 $0x400, s9;
	_ =	swait.ge [sflag:s4], $0x10000  }
0x11: {  	s9 =	sshrl.u32 s13, $0x3;
	[sflag:s4] =	ssyncset.done $0x0  }
0x12: {  	s10 =	ssub.s32 $0x2, s10;
	s9 =	sadd.s32 s11, s9;
	[sflag:s4] =	ssyncadd.s32 $0xFFFF0000  }
0x13: {  	[tilespmem:s3], [sflag:$0x2] =	stream.linear.gather [hbm4b:s9+s3], $0x400, $0x38;
	[tilespmem:$0x10400] =	vst v63  }
0x14: {  	s30 =	sshrl.u32 s10, $0x1;
	_ =	swait.ge [sflag:s4], $0x400  }
0x15: {  	s11 =	ssub.s32 s10, s30;
	[sflag:s4] =	ssyncset.done $0x0  }
0x16: {  	s11 =	smax.u32 s11, $0x1;
	[sflag:s4] =	ssyncadd.s32 $0xFFFFFC00  }
0x17: {  	[tilespmem:s6], [sflag:$0x1] =	stream.indirect.gather [hbm4b:s2+s6], $0x40, s3, s6, $0xb8;
	[tilespmem:$0x10400] =	vst v63  }
0x18: {  	p0 =	sne.s32 s11, $0x1;
	_ =	swait.ge [sflag:s7], $0x10000  }
.Ltmp0:
0x19: {  	s31 =	sshll.u32 s13, $0x3;
	[sflag:s7] =	ssyncset.done $0x0;
	(pc) =	sbr.rel @!p0 .LBB2_2-.Ltmp0, $4  }
0x1a: {  	s10 =	sadd.s32 s12, s31;
	[sflag:s7] =	ssyncadd.s32 $0xFFFF0000  }
0x1b: {  	[hbm4b:s10+s3] =	stream.linear.scatter [tilespmem:s6], [sflag:$0x2], $0x10000, $0x38;
	[tilespmem:$0x10400] =	vst v63  }
0x1c: {  	_ =	swait.ge [sflag:s4], $0x10000  }
0x1d: {  	s11 =	sadd.s32 $0xFFFFFFFF, s11;
	[sflag:s4] =	ssyncset.done $0x0  }
.LBB2_1:
0x1e: {  	p0 =	sne.s32 s11, $0x1;
	s11 =	sadd.s32 $0xFFFFFFFF, s11;
	[sflag:s4] =	ssyncadd.s32 $0xFFFF0000  }
0x1f: {  	[tilespmem:s3], [sflag:$0x2] =	stream.linear.gather [hbm4b:s5+s3], $0x400, $0x38;
	[tilespmem:$0x10400] =	vst v63  }
0x20: {  	_ =	swait.ge [sflag:s4], $0x400  }
0x21: {  	[sflag:s4] =	ssyncset.done $0x0  }
0x22: {  	[sflag:s4] =	ssyncadd.s32 $0xFFFFFC00  }
0x23: {  	[tilespmem:s6], [sflag:$0x1] =	stream.indirect.gather [hbm4b:s2+s6], $0x40, s3, s6, $0xb8;
	[tilespmem:$0x10400] =	vst v63  }
0x24: {  	_ =	swait.ge [sflag:s7], $0x10000  }
0x25: {  	[sflag:s7] =	ssyncset.done $0x0  }
0x26: {  	[sflag:s7] =	ssyncadd.s32 $0xFFFF0000  }
0x27: {  	[hbm4b:s8+s3] =	stream.linear.scatter [tilespmem:s6], [sflag:$0x2], $0x10000, $0x38;
	[tilespmem:$0x10400] =	vst v63  }
0x28: {  	_ =	swait.ge [sflag:s4], $0x10000  }
0x29: {  	[sflag:s4] =	ssyncset.done $0x0  }
0x2a: {  	[sflag:s4] =	ssyncadd.s32 $0xFFFF0000  }
0x2b: {  	[tilespmem:s3], [sflag:$0x2] =	stream.linear.gather [hbm4b:s9+s3], $0x400, $0x38;
	[tilespmem:$0x10400] =	vst v63  }
0x2c: {  	_ =	swait.ge [sflag:s4], $0x400  }
0x2d: {  	[sflag:s4] =	ssyncset.done $0x0  }
0x2e: {  	[sflag:s4] =	ssyncadd.s32 $0xFFFFFC00  }
0x2f: {  	[tilespmem:s6], [sflag:$0x1] =	stream.indirect.gather [hbm4b:s2+s6], $0x40, s3, s6, $0xb8;
	[tilespmem:$0x10400] =	vst v63  }
0x30: {  	_ =	swait.ge [sflag:s7], $0x10000  }
.Ltmp1:
0x31: {  	[sflag:s7] =	ssyncset.done $0x0;
	(pc) =	sbr.rel @p0 .LBB2_1-.Ltmp1, $4  }
0x32: {  	[sflag:s7] =	ssyncadd.s32 $0xFFFF0000  }
0x33: {  	[hbm4b:s10+s3] =	stream.linear.scatter [tilespmem:s6], [sflag:$0x2], $0x10000, $0x38;
	[tilespmem:$0x10400] =	vst v63  }
0x34: {  	_ =	swait.ge [sflag:s4], $0x10000  }
0x35: {  	[sflag:s4] =	ssyncset.done $0x0  }
.LBB2_2:
0x36: {  	[sflag:s4] =	ssyncadd.s32 $0xFFFF0000  }
0x37: {  	_ =	sfence.sel $0x180000  }
0x38: {  	[bflag:$0x0] =	sbarrier.arrive $0xFFFF  }
0x39: {  	p0 =	sne.s32 s0, $0x0;
	_ =	strace $0x90000047  }
0x3a: {  	s0 =	sadd.s32 @!p0 $0x100000, s1;
	[bflag:$0x2] =	sbarrier.arrive $0xFFFF  }
0x3b: {  	[sflag:s0] =	ssyncadd.tile.s32 @!p0 $0x1;
	_ =	shalt  }
.Lfunc_end2:
_tile_overlayer_lowered:
.L_overlay_start_2:
0x3c: {  	(tag) =	ssettag $0x2  }
0x3d: {  	s0 =	rddreg [dreg:$0x0];
	s2 =	stileid.u32  }
0x3e: {  	s1 =	rddreg [dreg:$0x1];
	p0 =	sne.s32 s2, $0x0  }
0x3f: {  	s3 =	rddreg [dreg:$0x2];
	[bflag:$0x3] =	sbarrier.arrive $0xFFFF;
	s2 =	simm.s32 @!p0 $0x1C02  }
0x40: {  	[timem:s3], [sflag:s2] =	dma.local @!p0 [hbm:s0], s1  }
0x41: {  	s0 =	simm.s32 @!p0 $0x2  }
0x42: {  	_ =	swait.ge @!p0 [sflag:s0], s1  }
0x43: {  	s1 =	ssub.s32 @!p0 $0x0, s1;
	[sflag:s0] =	ssyncset.done @!p0 $0x0  }
0x44: {  	[sflag:s0] =	ssyncadd.s32 @!p0 s1  }
0x45: {  	[bflag:$0x3] =	sbarrier.arrive $0xFFFF  }
0x46: {  	_ =	shalt  }

</sc_bundles>
